<compile_context>
chip_gen: v7x
topology: tpu7x:2x2x1
jax: 0.10.2.dev20260603
libtpu: 0.0.44.dev20260713+nightly
codegen_flags: <defaults>
</compile_context>

<pallas_src>
import functools

import jax
import jax.numpy as jnp
from jax import lax
from jax.experimental import pallas as pl
from jax.experimental.pallas import tpu as pltpu
from jax.experimental.pallas import tpu_sc as plsc

VOCAB = 1000000
EMBED = 64
BATCH = 4096
MAXLEN = 200

NC = 2
NS = 16
NW = NC * NS
TOTAL = BATCH * MAXLEN
BPW = TOTAL // NW
CH = 256
NCHUNK = BPW // CH
NBUF = 5
NSTEP = NCHUNK // NBUF

_mesh = plsc.VectorSubcoreMesh(core_axis_name="c", subcore_axis_name="s")


@functools.partial(
    pl.kernel,
    mesh=_mesh,
    compiler_params=pltpu.CompilerParams(use_tc_tiling_on_sc=False),
    out_type=jax.ShapeDtypeStruct((TOTAL, EMBED), jnp.float32),
    scratch_types=[pltpu.VMEM((NCHUNK, CH), jnp.int32),
                   pltpu.VMEM((NBUF, CH, EMBED), jnp.float32)]
    + [pltpu.SemaphoreType.DMA] * (2 * NBUF),
)
def _emb_lookup(idx_hbm, table_hbm, out_hbm, idx_v, rows_v, *sems):
    gsem = sems[:NBUF]
    wsem = sems[NBUF:]
    wid = lax.axis_index("s") * NC + lax.axis_index("c")
    base = wid * BPW

    pltpu.sync_copy(idx_hbm.at[pl.ds(wid * NCHUNK, NCHUNK)], idx_v)

    def gather(c, b):
        return pltpu.make_async_copy(
            table_hbm.at[idx_v.at[c]], rows_v.at[b], gsem[b])

    def write(c, b):
        return pltpu.make_async_copy(
            rows_v.at[b], out_hbm.at[pl.ds(base + c * CH, CH)], wsem[b])

    for b in range(NBUF):
        gather(b, b).start()

    def body(s, carry):
        for b in range(NBUF):
            c = s * NBUF + b
            gather(c, b).wait()
            write(c, b).start()
        for b in range(NBUF):
            c = s * NBUF + b
            write(c, b).wait()
            gather(c + NBUF, b).start()
        return carry

    lax.fori_loop(0, NSTEP - 1, body, 0)

    s = NSTEP - 1
    for b in range(NBUF):
        c = s * NBUF + b
        gather(c, b).wait()
        write(c, b).start()
    for b in range(NBUF):
        write(s * NBUF + b, b).wait()


def kernel(inputs, table):
    idx = inputs.reshape(NW * NCHUNK, CH).astype(jnp.int32)
    out = _emb_lookup(idx, table)
    return out.reshape(BATCH, MAXLEN, EMBED)

# --- scband reference (transcript-rebuilt; emitter-appended) ---
"""Pipeline reference for scband-my-model-87454124082183 (READ-ONLY COPY).

The authoritative reference and input builder live on the scoring server;
editing this copy changes nothing except your own understanding.
"""

import jax, jax.numpy as jnp
import numpy as np

VOCAB = 1000000
EMBED = 64
BATCH = 4096
MAXLEN = 200

def setup_inputs(seed: int = 0) -> dict:
    key = jax.random.key(seed)
    k_idx, k_tab = jax.random.split(key)
    inputs = jax.random.randint(k_idx, (BATCH, MAXLEN), 0, VOCAB, dtype=jnp.int64 if jax.config.jax_enable_x64 else jnp.int32)
    table = jax.random.normal(k_tab, (VOCAB, EMBED), dtype=jnp.float32) * 0.05
    return {"inputs": inputs, "table": table}

def reference(inputs, table):
    # Embedding lookup: gather rows of the table by integer indices.
    return jnp.take(table, inputs, axis=0)

if __name__ == "__main__":
    import jax
    _d = setup_inputs()
    print(jax.jit(kernel)(*tuple(_d.values())))

</pallas_src>

<mosaic_0001>
#map = affine_map<(d0, d1) -> (0, 0)>
module attributes {stable_mosaic.version = 14 : i64} {
  func.func @_emb_lookup(%arg0: i32, %arg1: i32, %arg2: memref<3200x256xi32, #tpu.memory_space<hbm>>, %arg3: memref<1000000x64xf32, #tpu.memory_space<hbm>>, %arg4: memref<819200x64xf32, #tpu.memory_space<hbm>>, %arg5: memref<100x256xi32, #tpu.memory_space<vmem>>, %arg6: memref<5x256x64xf32, #tpu.memory_space<vmem>>, %arg7: memref<!tpu.dma_semaphore, #tpu.memory_space<semaphore_mem>>, %arg8: memref<!tpu.dma_semaphore, #tpu.memory_space<semaphore_mem>>, %arg9: memref<!tpu.dma_semaphore, #tpu.memory_space<semaphore_mem>>, %arg10: memref<!tpu.dma_semaphore, #tpu.memory_space<semaphore_mem>>, %arg11: memref<!tpu.dma_semaphore, #tpu.memory_space<semaphore_mem>>, %arg12: memref<!tpu.dma_semaphore, #tpu.memory_space<semaphore_mem>>, %arg13: memref<!tpu.dma_semaphore, #tpu.memory_space<semaphore_mem>>, %arg14: memref<!tpu.dma_semaphore, #tpu.memory_space<semaphore_mem>>, %arg15: memref<!tpu.dma_semaphore, #tpu.memory_space<semaphore_mem>>, %arg16: memref<!tpu.dma_semaphore, #tpu.memory_space<semaphore_mem>>) attributes {dimension_semantics = [#tpu.dimension_semantics<core_parallel>, #tpu.dimension_semantics<subcore_parallel>], iteration_bounds = array<i64: 2, 16>, scalar_prefetch = 0 : i64, scratch_operands = 12 : i64, tpu.core_type = #tpu.core_type<sc_vector_subcore>, window_params = [{transform_indices = #map}, {transform_indices = #map}, {transform_indices = #map}]} {
    %mul3A = arith.constant 2 : i32
    %mul3A_0 = arith.muli %arg1, %mul3A : i32
    %add3A = arith.addi %mul3A_0, %arg0 : i32
    %mul3A_1 = arith.constant 25600 : i32
    %mul3A_2 = arith.muli %add3A, %mul3A_1 : i32
    %mul3A_3 = arith.constant 100 : i32
    %mul3A_4 = arith.muli %add3A, %mul3A_3 : i32
    "tpu.region"() ({
      %run_scoped3A = tpu.sem_alloc : memref<!tpu.dma_semaphore, #tpu.memory_space<semaphore_mem>>
      %dma_start3A_278 = arith.constant 0 : i32
      %dma_start3A_279 = tpu.memref_slice %arg2[%mul3A_4, %dma_start3A_278] : memref<3200x256xi32, #tpu.memory_space<hbm>> -> memref<100x256xi32, #tpu.memory_space<hbm>>
      %dma_start3A_280 = arith.constant 0 : i32
      %dma_start3A_281 = tpu.memref_slice %arg2[%mul3A_4, %dma_start3A_280] : memref<3200x256xi32, #tpu.memory_space<hbm>> -> memref<100x256xi32, #tpu.memory_space<hbm>>
      tpu.enqueue_dma source(%dma_start3A_281 : memref<100x256xi32, #tpu.memory_space<hbm>>) target(%arg5 : memref<100x256xi32, #tpu.memory_space<vmem>>) target_semaphore(%run_scoped3A : memref<!tpu.dma_semaphore, #tpu.memory_space<semaphore_mem>>)
      %dma_wait3A_282 = arith.constant 0 : i32
      %dma_wait3A_283 = tpu.memref_slice %arg2[%mul3A_4, %dma_wait3A_282] : memref<3200x256xi32, #tpu.memory_space<hbm>> -> memref<100x256xi32, #tpu.memory_space<hbm>>
      %dma_wait3A_284 = arith.constant 0 : i32
      %dma_wait3A_285 = tpu.memref_slice %arg2[%mul3A_4, %dma_wait3A_284] : memref<3200x256xi32, #tpu.memory_space<hbm>> -> memref<100x256xi32, #tpu.memory_space<hbm>>
      tpu.wait_dma2 semaphore(%run_scoped3A : memref<!tpu.dma_semaphore, #tpu.memory_space<semaphore_mem>>) src(%dma_wait3A_285 : memref<100x256xi32, #tpu.memory_space<hbm>>) dst(%arg5 : memref<100x256xi32, #tpu.memory_space<vmem>>)
      tpu.yield
    }) : () -> ()
    %dma_start3A = arith.constant 0 : i32
    %dma_start3A_5 = arith.constant 0 : i32
    %dma_start3A_6 = arith.constant 0 : i32
    %dma_start3A_7 = arith.constant 0 : i32
    %dma_start3A_8 = tpu.memref_slice %arg6[%dma_start3A_5, %dma_start3A_6, %dma_start3A_7] : memref<5x256x64xf32, #tpu.memory_space<vmem>> -> memref<1x256x64xf32, #tpu.memory_space<vmem>>
    %dma_start3A_9 = tpu.memref_squeeze %dma_start3A_8 : memref<1x256x64xf32, #tpu.memory_space<vmem>> -> memref<256x64xf32, #tpu.memory_space<vmem>>
    %dma_start3A_10 = arith.constant 0 : i32
    %dma_start3A_11 = tpu.memref_slice %arg5[%dma_start3A, %dma_start3A_10] : memref<100x256xi32, #tpu.memory_space<vmem>> -> memref<1x256xi32, #tpu.memory_space<vmem>>
    %dma_start3A_12 = tpu.memref_squeeze %dma_start3A_11 : memref<1x256xi32, #tpu.memory_space<vmem>> -> memref<256xi32, #tpu.memory_space<vmem>>
    %dma_start3A_13 = arith.constant 0 : i32
    %dma_start3A_14 = arith.constant 0 : i32
    %dma_start3A_15 = tpu.memref_slice %arg3[%dma_start3A_13, %dma_start3A_14] : memref<1000000x64xf32, #tpu.memory_space<hbm>> -> memref<1000000x64xf32, #tpu.memory_space<hbm>>
    tpu.enqueue_indirect_dma source(%dma_start3A_15 : memref<1000000x64xf32, #tpu.memory_space<hbm>>) target(%dma_start3A_9 : memref<256x64xf32, #tpu.memory_space<vmem>>) offsets(%dma_start3A_12 : memref<256xi32, #tpu.memory_space<vmem>>) semaphore(%arg7 : memref<!tpu.dma_semaphore, #tpu.memory_space<semaphore_mem>>)
    %dma_start3A_16 = arith.constant 1 : i32
    %dma_start3A_17 = arith.constant 1 : i32
    %dma_start3A_18 = arith.constant 0 : i32
    %dma_start3A_19 = arith.constant 0 : i32
    %dma_start3A_20 = tpu.memref_slice %arg6[%dma_start3A_17, %dma_start3A_18, %dma_start3A_19] : memref<5x256x64xf32, #tpu.memory_space<vmem>> -> memref<1x256x64xf32, #tpu.memory_space<vmem>>
    %dma_start3A_21 = tpu.memref_squeeze %dma_start3A_20 : memref<1x256x64xf32, #tpu.memory_space<vmem>> -> memref<256x64xf32, #tpu.memory_space<vmem>>
    %dma_start3A_22 = arith.constant 0 : i32
    %dma_start3A_23 = tpu.memref_slice %arg5[%dma_start3A_16, %dma_start3A_22] : memref<100x256xi32, #tpu.memory_space<vmem>> -> memref<1x256xi32, #tpu.memory_space<vmem>>
    %dma_start3A_24 = tpu.memref_squeeze %dma_start3A_23 : memref<1x256xi32, #tpu.memory_space<vmem>> -> memref<256xi32, #tpu.memory_space<vmem>>
    %dma_start3A_25 = arith.constant 0 : i32
    %dma_start3A_26 = arith.constant 0 : i32
    %dma_start3A_27 = tpu.memref_slice %arg3[%dma_start3A_25, %dma_start3A_26] : memref<1000000x64xf32, #tpu.memory_space<hbm>> -> memref<1000000x64xf32, #tpu.memory_space<hbm>>
    tpu.enqueue_indirect_dma source(%dma_start3A_27 : memref<1000000x64xf32, #tpu.memory_space<hbm>>) target(%dma_start3A_21 : memref<256x64xf32, #tpu.memory_space<vmem>>) offsets(%dma_start3A_24 : memref<256xi32, #tpu.memory_space<vmem>>) semaphore(%arg8 : memref<!tpu.dma_semaphore, #tpu.memory_space<semaphore_mem>>)
    %dma_start3A_28 = arith.constant 2 : i32
    %dma_start3A_29 = arith.constant 2 : i32
    %dma_start3A_30 = arith.constant 0 : i32
    %dma_start3A_31 = arith.constant 0 : i32
    %dma_start3A_32 = tpu.memref_slice %arg6[%dma_start3A_29, %dma_start3A_30, %dma_start3A_31] : memref<5x256x64xf32, #tpu.memory_space<vmem>> -> memref<1x256x64xf32, #tpu.memory_space<vmem>>
    %dma_start3A_33 = tpu.memref_squeeze %dma_start3A_32 : memref<1x256x64xf32, #tpu.memory_space<vmem>> -> memref<256x64xf32, #tpu.memory_space<vmem>>
    %dma_start3A_34 = arith.constant 0 : i32
    %dma_start3A_35 = tpu.memref_slice %arg5[%dma_start3A_28, %dma_start3A_34] : memref<100x256xi32, #tpu.memory_space<vmem>> -> memref<1x256xi32, #tpu.memory_space<vmem>>
    %dma_start3A_36 = tpu.memref_squeeze %dma_start3A_35 : memref<1x256xi32, #tpu.memory_space<vmem>> -> memref<256xi32, #tpu.memory_space<vmem>>
    %dma_start3A_37 = arith.constant 0 : i32
    %dma_start3A_38 = arith.constant 0 : i32
    %dma_start3A_39 = tpu.memref_slice %arg3[%dma_start3A_37, %dma_start3A_38] : memref<1000000x64xf32, #tpu.memory_space<hbm>> -> memref<1000000x64xf32, #tpu.memory_space<hbm>>
    tpu.enqueue_indirect_dma source(%dma_start3A_39 : memref<1000000x64xf32, #tpu.memory_space<hbm>>) target(%dma_start3A_33 : memref<256x64xf32, #tpu.memory_space<vmem>>) offsets(%dma_start3A_36 : memref<256xi32, #tpu.memory_space<vmem>>) semaphore(%arg9 : memref<!tpu.dma_semaphore, #tpu.memory_space<semaphore_mem>>)
    %dma_start3A_40 = arith.constant 3 : i32
    %dma_start3A_41 = arith.constant 3 : i32
    %dma_start3A_42 = arith.constant 0 : i32
    %dma_start3A_43 = arith.constant 0 : i32
    %dma_start3A_44 = tpu.memref_slice %arg6[%dma_start3A_41, %dma_start3A_42, %dma_start3A_43] : memref<5x256x64xf32, #tpu.memory_space<vmem>> -> memref<1x256x64xf32, #tpu.memory_space<vmem>>
    %dma_start3A_45 = tpu.memref_squeeze %dma_start3A_44 : memref<1x256x64xf32, #tpu.memory_space<vmem>> -> memref<256x64xf32, #tpu.memory_space<vmem>>
    %dma_start3A_46 = arith.constant 0 : i32
    %dma_start3A_47 = tpu.memref_slice %arg5[%dma_start3A_40, %dma_start3A_46] : memref<100x256xi32, #tpu.memory_space<vmem>> -> memref<1x256xi32, #tpu.memory_space<vmem>>
    %dma_start3A_48 = tpu.memref_squeeze %dma_start3A_47 : memref<1x256xi32, #tpu.memory_space<vmem>> -> memref<256xi32, #tpu.memory_space<vmem>>
    %dma_start3A_49 = arith.constant 0 : i32
    %dma_start3A_50 = arith.constant 0 : i32
    %dma_start3A_51 = tpu.memref_slice %arg3[%dma_start3A_49, %dma_start3A_50] : memref<1000000x64xf32, #tpu.memory_space<hbm>> -> memref<1000000x64xf32, #tpu.memory_space<hbm>>
    tpu.enqueue_indirect_dma source(%dma_start3A_51 : memref<1000000x64xf32, #tpu.memory_space<hbm>>) target(%dma_start3A_45 : memref<256x64xf32, #tpu.memory_space<vmem>>) offsets(%dma_start3A_48 : memref<256xi32, #tpu.memory_space<vmem>>) semaphore(%arg10 : memref<!tpu.dma_semaphore, #tpu.memory_space<semaphore_mem>>)
    %dma_start3A_52 = arith.constant 4 : i32
    %dma_start3A_53 = arith.constant 4 : i32
    %dma_start3A_54 = arith.constant 0 : i32
    %dma_start3A_55 = arith.constant 0 : i32
    %dma_start3A_56 = tpu.memref_slice %arg6[%dma_start3A_53, %dma_start3A_54, %dma_start3A_55] : memref<5x256x64xf32, #tpu.memory_space<vmem>> -> memref<1x256x64xf32, #tpu.memory_space<vmem>>
    %dma_start3A_57 = tpu.memref_squeeze %dma_start3A_56 : memref<1x256x64xf32, #tpu.memory_space<vmem>> -> memref<256x64xf32, #tpu.memory_space<vmem>>
    %dma_start3A_58 = arith.constant 0 : i32
    %dma_start3A_59 = tpu.memref_slice %arg5[%dma_start3A_52, %dma_start3A_58] : memref<100x256xi32, #tpu.memory_space<vmem>> -> memref<1x256xi32, #tpu.memory_space<vmem>>
    %dma_start3A_60 = tpu.memref_squeeze %dma_start3A_59 : memref<1x256xi32, #tpu.memory_space<vmem>> -> memref<256xi32, #tpu.memory_space<vmem>>
    %dma_start3A_61 = arith.constant 0 : i32
    %dma_start3A_62 = arith.constant 0 : i32
    %dma_start3A_63 = tpu.memref_slice %arg3[%dma_start3A_61, %dma_start3A_62] : memref<1000000x64xf32, #tpu.memory_space<hbm>> -> memref<1000000x64xf32, #tpu.memory_space<hbm>>
    tpu.enqueue_indirect_dma source(%dma_start3A_63 : memref<1000000x64xf32, #tpu.memory_space<hbm>>) target(%dma_start3A_57 : memref<256x64xf32, #tpu.memory_space<vmem>>) offsets(%dma_start3A_60 : memref<256xi32, #tpu.memory_space<vmem>>) semaphore(%arg11 : memref<!tpu.dma_semaphore, #tpu.memory_space<semaphore_mem>>)
    %scan3A = arith.constant 0 : i32
    %scan3A_64 = arith.constant 0 : i32
    %scan3A_65 = arith.constant 19 : i32
    %scan3A_66 = arith.addi %scan3A_64, %scan3A_65 : i32
    %scan3A_67 = arith.constant 1 : i32
    scf.for %scan3A_278 = %scan3A_64 to %scan3A_66 step %scan3A_67  : i32 {
      %mul3A_279 = arith.constant 5 : i32
      %mul3A_280 = arith.muli %scan3A_278, %mul3A_279 : i32
      %add3A_281 = arith.constant 0 : i32
      %add3A_282 = arith.addi %mul3A_280, %add3A_281 : i32
      %dma_wait3A_283 = arith.constant 0 : i32
      %dma_wait3A_284 = arith.constant 0 : i32
      %dma_wait3A_285 = arith.constant 0 : i32
      %dma_wait3A_286 = tpu.memref_slice %arg6[%dma_wait3A_283, %dma_wait3A_284, %dma_wait3A_285] : memref<5x256x64xf32, #tpu.memory_space<vmem>> -> memref<1x256x64xf32, #tpu.memory_space<vmem>>
      %dma_wait3A_287 = tpu.memref_squeeze %dma_wait3A_286 : memref<1x256x64xf32, #tpu.memory_space<vmem>> -> memref<256x64xf32, #tpu.memory_space<vmem>>
      %dma_wait3A_288 = arith.constant 0 : i32
      %dma_wait3A_289 = tpu.memref_slice %arg5[%add3A_282, %dma_wait3A_288] : memref<100x256xi32, #tpu.memory_space<vmem>> -> memref<1x256xi32, #tpu.memory_space<vmem>>
      %dma_wait3A_290 = tpu.memref_squeeze %dma_wait3A_289 : memref<1x256xi32, #tpu.memory_space<vmem>> -> memref<256xi32, #tpu.memory_space<vmem>>
      %dma_wait3A_291 = arith.constant 0 : i32
      %dma_wait3A_292 = arith.constant 0 : i32
      %dma_wait3A_293 = tpu.memref_slice %arg3[%dma_wait3A_291, %dma_wait3A_292] : memref<1000000x64xf32, #tpu.memory_space<hbm>> -> memref<1000000x64xf32, #tpu.memory_space<hbm>>
      tpu.wait_indirect_dma semaphore(%arg7 : memref<!tpu.dma_semaphore, #tpu.memory_space<semaphore_mem>>) src(%dma_wait3A_293 : memref<1000000x64xf32, #tpu.memory_space<hbm>>) dst(%dma_wait3A_287 : memref<256x64xf32, #tpu.memory_space<vmem>>)
      %mul3A_294 = arith.constant 256 : i32
      %mul3A_295 = arith.muli %add3A_282, %mul3A_294 : i32
      %add3A_296 = arith.addi %mul3A_2, %mul3A_295 : i32
      %dma_start3A_297 = arith.constant 0 : i32
      %dma_start3A_298 = arith.constant 0 : i32
      %dma_start3A_299 = arith.constant 0 : i32
      %dma_start3A_300 = tpu.memref_slice %arg6[%dma_start3A_297, %dma_start3A_298, %dma_start3A_299] : memref<5x256x64xf32, #tpu.memory_space<vmem>> -> memref<1x256x64xf32, #tpu.memory_space<vmem>>
      %dma_start3A_301 = tpu.memref_squeeze %dma_start3A_300 : memref<1x256x64xf32, #tpu.memory_space<vmem>> -> memref<256x64xf32, #tpu.memory_space<vmem>>
      %dma_start3A_302 = arith.constant 0 : i32
      %dma_start3A_303 = tpu.memref_slice %arg4[%add3A_296, %dma_start3A_302] : memref<819200x64xf32, #tpu.memory_space<hbm>> -> memref<256x64xf32, #tpu.memory_space<hbm>>
      %dma_start3A_304 = arith.constant 0 : i32
      %dma_start3A_305 = tpu.memref_slice %arg4[%add3A_296, %dma_start3A_304] : memref<819200x64xf32, #tpu.memory_space<hbm>> -> memref<256x64xf32, #tpu.memory_space<hbm>>
      %dma_start3A_306 = arith.constant 0 : i32
      %dma_start3A_307 = arith.constant 0 : i32
      %dma_start3A_308 = tpu.memref_slice %arg6[%dma_start3A_297, %dma_start3A_306, %dma_start3A_307] : memref<5x256x64xf32, #tpu.memory_space<vmem>> -> memref<1x256x64xf32, #tpu.memory_space<vmem>>
      %dma_start3A_309 = tpu.memref_squeeze %dma_start3A_308 : memref<1x256x64xf32, #tpu.memory_space<vmem>> -> memref<256x64xf32, #tpu.memory_space<vmem>>
      tpu.enqueue_dma source(%dma_start3A_309 : memref<256x64xf32, #tpu.memory_space<vmem>>) target(%dma_start3A_305 : memref<256x64xf32, #tpu.memory_space<hbm>>) target_semaphore(%arg12 : memref<!tpu.dma_semaphore, #tpu.memory_space<semaphore_mem>>)
      %mul3A_310 = arith.constant 5 : i32
      %mul3A_311 = arith.muli %scan3A_278, %mul3A_310 : i32
      %add3A_312 = arith.constant 1 : i32
      %add3A_313 = arith.addi %mul3A_311, %add3A_312 : i32
      %dma_wait3A_314 = arith.constant 1 : i32
      %dma_wait3A_315 = arith.constant 0 : i32
      %dma_wait3A_316 = arith.constant 0 : i32
      %dma_wait3A_317 = tpu.memref_slice %arg6[%dma_wait3A_314, %dma_wait3A_315, %dma_wait3A_316] : memref<5x256x64xf32, #tpu.memory_space<vmem>> -> memref<1x256x64xf32, #tpu.memory_space<vmem>>
      %dma_wait3A_318 = tpu.memref_squeeze %dma_wait3A_317 : memref<1x256x64xf32, #tpu.memory_space<vmem>> -> memref<256x64xf32, #tpu.memory_space<vmem>>
      %dma_wait3A_319 = arith.constant 0 : i32
      %dma_wait3A_320 = tpu.memref_slice %arg5[%add3A_313, %dma_wait3A_319] : memref<100x256xi32, #tpu.memory_space<vmem>> -> memref<1x256xi32, #tpu.memory_space<vmem>>
      %dma_wait3A_321 = tpu.memref_squeeze %dma_wait3A_320 : memref<1x256xi32, #tpu.memory_space<vmem>> -> memref<256xi32, #tpu.memory_space<vmem>>
      %dma_wait3A_322 = arith.constant 0 : i32
      %dma_wait3A_323 = arith.constant 0 : i32
      %dma_wait3A_324 = tpu.memref_slice %arg3[%dma_wait3A_322, %dma_wait3A_323] : memref<1000000x64xf32, #tpu.memory_space<hbm>> -> memref<1000000x64xf32, #tpu.memory_space<hbm>>
      tpu.wait_indirect_dma semaphore(%arg8 : memref<!tpu.dma_semaphore, #tpu.memory_space<semaphore_mem>>) src(%dma_wait3A_324 : memref<1000000x64xf32, #tpu.memory_space<hbm>>) dst(%dma_wait3A_318 : memref<256x64xf32, #tpu.memory_space<vmem>>)
      %mul3A_325 = arith.constant 256 : i32
      %mul3A_326 = arith.muli %add3A_313, %mul3A_325 : i32
      %add3A_327 = arith.addi %mul3A_2, %mul3A_326 : i32
      %dma_start3A_328 = arith.constant 1 : i32
      %dma_start3A_329 = arith.constant 0 : i32
      %dma_start3A_330 = arith.constant 0 : i32
      %dma_start3A_331 = tpu.memref_slice %arg6[%dma_start3A_328, %dma_start3A_329, %dma_start3A_330] : memref<5x256x64xf32, #tpu.memory_space<vmem>> -> memref<1x256x64xf32, #tpu.memory_space<vmem>>
      %dma_start3A_332 = tpu.memref_squeeze %dma_start3A_331 : memref<1x256x64xf32, #tpu.memory_space<vmem>> -> memref<256x64xf32, #tpu.memory_space<vmem>>
      %dma_start3A_333 = arith.constant 0 : i32
      %dma_start3A_334 = tpu.memref_slice %arg4[%add3A_327, %dma_start3A_333] : memref<819200x64xf32, #tpu.memory_space<hbm>> -> memref<256x64xf32, #tpu.memory_space<hbm>>
      %dma_start3A_335 = arith.constant 0 : i32
      %dma_start3A_336 = tpu.memref_slice %arg4[%add3A_327, %dma_start3A_335] : memref<819200x64xf32, #tpu.memory_space<hbm>> -> memref<256x64xf32, #tpu.memory_space<hbm>>
      %dma_start3A_337 = arith.constant 0 : i32
      %dma_start3A_338 = arith.constant 0 : i32
      %dma_start3A_339 = tpu.memref_slice %arg6[%dma_start3A_328, %dma_start3A_337, %dma_start3A_338] : memref<5x256x64xf32, #tpu.memory_space<vmem>> -> memref<1x256x64xf32, #tpu.memory_space<vmem>>
      %dma_start3A_340 = tpu.memref_squeeze %dma_start3A_339 : memref<1x256x64xf32, #tpu.memory_space<vmem>> -> memref<256x64xf32, #tpu.memory_space<vmem>>
      tpu.enqueue_dma source(%dma_start3A_340 : memref<256x64xf32, #tpu.memory_space<vmem>>) target(%dma_start3A_336 : memref<256x64xf32, #tpu.memory_space<hbm>>) target_semaphore(%arg13 : memref<!tpu.dma_semaphore, #tpu.memory_space<semaphore_mem>>)
      %mul3A_341 = arith.constant 5 : i32
      %mul3A_342 = arith.muli %scan3A_278, %mul3A_341 : i32
      %add3A_343 = arith.constant 2 : i32
      %add3A_344 = arith.addi %mul3A_342, %add3A_343 : i32
      %dma_wait3A_345 = arith.constant 2 : i32
      %dma_wait3A_346 = arith.constant 0 : i32
      %dma_wait3A_347 = arith.constant 0 : i32
      %dma_wait3A_348 = tpu.memref_slice %arg6[%dma_wait3A_345, %dma_wait3A_346, %dma_wait3A_347] : memref<5x256x64xf32, #tpu.memory_space<vmem>> -> memref<1x256x64xf32, #tpu.memory_space<vmem>>
      %dma_wait3A_349 = tpu.memref_squeeze %dma_wait3A_348 : memref<1x256x64xf32, #tpu.memory_space<vmem>> -> memref<256x64xf32, #tpu.memory_space<vmem>>
      %dma_wait3A_350 = arith.constant 0 : i32
      %dma_wait3A_351 = tpu.memref_slice %arg5[%add3A_344, %dma_wait3A_350] : memref<100x256xi32, #tpu.memory_space<vmem>> -> memref<1x256xi32, #tpu.memory_space<vmem>>
      %dma_wait3A_352 = tpu.memref_squeeze %dma_wait3A_351 : memref<1x256xi32, #tpu.memory_space<vmem>> -> memref<256xi32, #tpu.memory_space<vmem>>
      %dma_wait3A_353 = arith.constant 0 : i32
      %dma_wait3A_354 = arith.constant 0 : i32
      %dma_wait3A_355 = tpu.memref_slice %arg3[%dma_wait3A_353, %dma_wait3A_354] : memref<1000000x64xf32, #tpu.memory_space<hbm>> -> memref<1000000x64xf32, #tpu.memory_space<hbm>>
      tpu.wait_indirect_dma semaphore(%arg9 : memref<!tpu.dma_semaphore, #tpu.memory_space<semaphore_mem>>) src(%dma_wait3A_355 : memref<1000000x64xf32, #tpu.memory_space<hbm>>) dst(%dma_wait3A_349 : memref<256x64xf32, #tpu.memory_space<vmem>>)
      %mul3A_356 = arith.constant 256 : i32
      %mul3A_357 = arith.muli %add3A_344, %mul3A_356 : i32
      %add3A_358 = arith.addi %mul3A_2, %mul3A_357 : i32
      %dma_start3A_359 = arith.constant 2 : i32
      %dma_start3A_360 = arith.constant 0 : i32
      %dma_start3A_361 = arith.constant 0 : i32
      %dma_start3A_362 = tpu.memref_slice %arg6[%dma_start3A_359, %dma_start3A_360, %dma_start3A_361] : memref<5x256x64xf32, #tpu.memory_space<vmem>> -> memref<1x256x64xf32, #tpu.memory_space<vmem>>
      %dma_start3A_363 = tpu.memref_squeeze %dma_start3A_362 : memref<1x256x64xf32, #tpu.memory_space<vmem>> -> memref<256x64xf32, #tpu.memory_space<vmem>>
      %dma_start3A_364 = arith.constant 0 : i32
      %dma_start3A_365 = tpu.memref_slice %arg4[%add3A_358, %dma_start3A_364] : memref<819200x64xf32, #tpu.memory_space<hbm>> -> memref<256x64xf32, #tpu.memory_space<hbm>>
      %dma_start3A_366 = arith.constant 0 : i32
      %dma_start3A_367 = tpu.memref_slice %arg4[%add3A_358, %dma_start3A_366] : memref<819200x64xf32, #tpu.memory_space<hbm>> -> memref<256x64xf32, #tpu.memory_space<hbm>>
      %dma_start3A_368 = arith.constant 0 : i32
      %dma_start3A_369 = arith.constant 0 : i32
      %dma_start3A_370 = tpu.memref_slice %arg6[%dma_start3A_359, %dma_start3A_368, %dma_start3A_369] : memref<5x256x64xf32, #tpu.memory_space<vmem>> -> memref<1x256x64xf32, #tpu.memory_space<vmem>>
      %dma_start3A_371 = tpu.memref_squeeze %dma_start3A_370 : memref<1x256x64xf32, #tpu.memory_space<vmem>> -> memref<256x64xf32, #tpu.memory_space<vmem>>
      tpu.enqueue_dma source(%dma_start3A_371 : memref<256x64xf32, #tpu.memory_space<vmem>>) target(%dma_start3A_367 : memref<256x64xf32, #tpu.memory_space<hbm>>) target_semaphore(%arg14 : memref<!tpu.dma_semaphore, #tpu.memory_space<semaphore_mem>>)
      %mul3A_372 = arith.constant 5 : i32
      %mul3A_373 = arith.muli %scan3A_278, %mul3A_372 : i32
      %add3A_374 = arith.constant 3 : i32
      %add3A_375 = arith.addi %mul3A_373, %add3A_374 : i32
      %dma_wait3A_376 = arith.constant 3 : i32
      %dma_wait3A_377 = arith.constant 0 : i32
      %dma_wait3A_378 = arith.constant 0 : i32
      %dma_wait3A_379 = tpu.memref_slice %arg6[%dma_wait3A_376, %dma_wait3A_377, %dma_wait3A_378] : memref<5x256x64xf32, #tpu.memory_space<vmem>> -> memref<1x256x64xf32, #tpu.memory_space<vmem>>
      %dma_wait3A_380 = tpu.memref_squeeze %dma_wait3A_379 : memref<1x256x64xf32, #tpu.memory_space<vmem>> -> memref<256x64xf32, #tpu.memory_space<vmem>>
      %dma_wait3A_381 = arith.constant 0 : i32
      %dma_wait3A_382 = tpu.memref_slice %arg5[%add3A_375, %dma_wait3A_381] : memref<100x256xi32, #tpu.memory_space<vmem>> -> memref<1x256xi32, #tpu.memory_space<vmem>>
      %dma_wait3A_383 = tpu.memref_squeeze %dma_wait3A_382 : memref<1x256xi32, #tpu.memory_space<vmem>> -> memref<256xi32, #tpu.memory_space<vmem>>
      %dma_wait3A_384 = arith.constant 0 : i32
      %dma_wait3A_385 = arith.constant 0 : i32
      %dma_wait3A_386 = tpu.memref_slice %arg3[%dma_wait3A_384, %dma_wait3A_385] : memref<1000000x64xf32, #tpu.memory_space<hbm>> -> memref<1000000x64xf32, #tpu.memory_space<hbm>>
      tpu.wait_indirect_dma semaphore(%arg10 : memref<!tpu.dma_semaphore, #tpu.memory_space<semaphore_mem>>) src(%dma_wait3A_386 : memref<1000000x64xf32, #tpu.memory_space<hbm>>) dst(%dma_wait3A_380 : memref<256x64xf32, #tpu.memory_space<vmem>>)
      %mul3A_387 = arith.constant 256 : i32
      %mul3A_388 = arith.muli %add3A_375, %mul3A_387 : i32
      %add3A_389 = arith.addi %mul3A_2, %mul3A_388 : i32
      %dma_start3A_390 = arith.constant 3 : i32
      %dma_start3A_391 = arith.constant 0 : i32
      %dma_start3A_392 = arith.constant 0 : i32
      %dma_start3A_393 = tpu.memref_slice %arg6[%dma_start3A_390, %dma_start3A_391, %dma_start3A_392] : memref<5x256x64xf32, #tpu.memory_space<vmem>> -> memref<1x256x64xf32, #tpu.memory_space<vmem>>
      %dma_start3A_394 = tpu.memref_squeeze %dma_start3A_393 : memref<1x256x64xf32, #tpu.memory_space<vmem>> -> memref<256x64xf32, #tpu.memory_space<vmem>>
      %dma_start3A_395 = arith.constant 0 : i32
      %dma_start3A_396 = tpu.memref_slice %arg4[%add3A_389, %dma_start3A_395] : memref<819200x64xf32, #tpu.memory_space<hbm>> -> memref<256x64xf32, #tpu.memory_space<hbm>>
      %dma_start3A_397 = arith.constant 0 : i32
      %dma_start3A_398 = tpu.memref_slice %arg4[%add3A_389, %dma_start3A_397] : memref<819200x64xf32, #tpu.memory_space<hbm>> -> memref<256x64xf32, #tpu.memory_space<hbm>>
      %dma_start3A_399 = arith.constant 0 : i32
      %dma_start3A_400 = arith.constant 0 : i32
      %dma_start3A_401 = tpu.memref_slice %arg6[%dma_start3A_390, %dma_start3A_399, %dma_start3A_400] : memref<5x256x64xf32, #tpu.memory_space<vmem>> -> memref<1x256x64xf32, #tpu.memory_space<vmem>>
      %dma_start3A_402 = tpu.memref_squeeze %dma_start3A_401 : memref<1x256x64xf32, #tpu.memory_space<vmem>> -> memref<256x64xf32, #tpu.memory_space<vmem>>
      tpu.enqueue_dma source(%dma_start3A_402 : memref<256x64xf32, #tpu.memory_space<vmem>>) target(%dma_start3A_398 : memref<256x64xf32, #tpu.memory_space<hbm>>) target_semaphore(%arg15 : memref<!tpu.dma_semaphore, #tpu.memory_space<semaphore_mem>>)
      %mul3A_403 = arith.constant 5 : i32
      %mul3A_404 = arith.muli %scan3A_278, %mul3A_403 : i32
      %add3A_405 = arith.constant 4 : i32
      %add3A_406 = arith.addi %mul3A_404, %add3A_405 : i32
      %dma_wait3A_407 = arith.constant 4 : i32
      %dma_wait3A_408 = arith.constant 0 : i32
      %dma_wait3A_409 = arith.constant 0 : i32
      %dma_wait3A_410 = tpu.memref_slice %arg6[%dma_wait3A_407, %dma_wait3A_408, %dma_wait3A_409] : memref<5x256x64xf32, #tpu.memory_space<vmem>> -> memref<1x256x64xf32, #tpu.memory_space<vmem>>
      %dma_wait3A_411 = tpu.memref_squeeze %dma_wait3A_410 : memref<1x256x64xf32, #tpu.memory_space<vmem>> -> memref<256x64xf32, #tpu.memory_space<vmem>>
      %dma_wait3A_412 = arith.constant 0 : i32
      %dma_wait3A_413 = tpu.memref_slice %arg5[%add3A_406, %dma_wait3A_412] : memref<100x256xi32, #tpu.memory_space<vmem>> -> memref<1x256xi32, #tpu.memory_space<vmem>>
      %dma_wait3A_414 = tpu.memref_squeeze %dma_wait3A_413 : memref<1x256xi32, #tpu.memory_space<vmem>> -> memref<256xi32, #tpu.memory_space<vmem>>
      %dma_wait3A_415 = arith.constant 0 : i32
      %dma_wait3A_416 = arith.constant 0 : i32
      %dma_wait3A_417 = tpu.memref_slice %arg3[%dma_wait3A_415, %dma_wait3A_416] : memref<1000000x64xf32, #tpu.memory_space<hbm>> -> memref<1000000x64xf32, #tpu.memory_space<hbm>>
      tpu.wait_indirect_dma semaphore(%arg11 : memref<!tpu.dma_semaphore, #tpu.memory_space<semaphore_mem>>) src(%dma_wait3A_417 : memref<1000000x64xf32, #tpu.memory_space<hbm>>) dst(%dma_wait3A_411 : memref<256x64xf32, #tpu.memory_space<vmem>>)
      %mul3A_418 = arith.constant 256 : i32
      %mul3A_419 = arith.muli %add3A_406, %mul3A_418 : i32
      %add3A_420 = arith.addi %mul3A_2, %mul3A_419 : i32
      %dma_start3A_421 = arith.constant 4 : i32
      %dma_start3A_422 = arith.constant 0 : i32
      %dma_start3A_423 = arith.constant 0 : i32
      %dma_start3A_424 = tpu.memref_slice %arg6[%dma_start3A_421, %dma_start3A_422, %dma_start3A_423] : memref<5x256x64xf32, #tpu.memory_space<vmem>> -> memref<1x256x64xf32, #tpu.memory_space<vmem>>
      %dma_start3A_425 = tpu.memref_squeeze %dma_start3A_424 : memref<1x256x64xf32, #tpu.memory_space<vmem>> -> memref<256x64xf32, #tpu.memory_space<vmem>>
      %dma_start3A_426 = arith.constant 0 : i32
      %dma_start3A_427 = tpu.memref_slice %arg4[%add3A_420, %dma_start3A_426] : memref<819200x64xf32, #tpu.memory_space<hbm>> -> memref<256x64xf32, #tpu.memory_space<hbm>>
      %dma_start3A_428 = arith.constant 0 : i32
      %dma_start3A_429 = tpu.memref_slice %arg4[%add3A_420, %dma_start3A_428] : memref<819200x64xf32, #tpu.memory_space<hbm>> -> memref<256x64xf32, #tpu.memory_space<hbm>>
      %dma_start3A_430 = arith.constant 0 : i32
      %dma_start3A_431 = arith.constant 0 : i32
      %dma_start3A_432 = tpu.memref_slice %arg6[%dma_start3A_421, %dma_start3A_430, %dma_start3A_431] : memref<5x256x64xf32, #tpu.memory_space<vmem>> -> memref<1x256x64xf32, #tpu.memory_space<vmem>>
      %dma_start3A_433 = tpu.memref_squeeze %dma_start3A_432 : memref<1x256x64xf32, #tpu.memory_space<vmem>> -> memref<256x64xf32, #tpu.memory_space<vmem>>
      tpu.enqueue_dma source(%dma_start3A_433 : memref<256x64xf32, #tpu.memory_space<vmem>>) target(%dma_start3A_429 : memref<256x64xf32, #tpu.memory_space<hbm>>) target_semaphore(%arg16 : memref<!tpu.dma_semaphore, #tpu.memory_space<semaphore_mem>>)
      %mul3A_434 = arith.constant 5 : i32
      %mul3A_435 = arith.muli %scan3A_278, %mul3A_434 : i32
      %add3A_436 = arith.constant 0 : i32
      %add3A_437 = arith.addi %mul3A_435, %add3A_436 : i32
      %mul3A_438 = arith.constant 256 : i32
      %mul3A_439 = arith.muli %add3A_437, %mul3A_438 : i32
      %add3A_440 = arith.addi %mul3A_2, %mul3A_439 : i32
      %dma_wait3A_441 = arith.constant 0 : i32
      %dma_wait3A_442 = arith.constant 0 : i32
      %dma_wait3A_443 = arith.constant 0 : i32
      %dma_wait3A_444 = tpu.memref_slice %arg6[%dma_wait3A_441, %dma_wait3A_442, %dma_wait3A_443] : memref<5x256x64xf32, #tpu.memory_space<vmem>> -> memref<1x256x64xf32, #tpu.memory_space<vmem>>
      %dma_wait3A_445 = tpu.memref_squeeze %dma_wait3A_444 : memref<1x256x64xf32, #tpu.memory_space<vmem>> -> memref<256x64xf32, #tpu.memory_space<vmem>>
      %dma_wait3A_446 = arith.constant 0 : i32
      %dma_wait3A_447 = tpu.memref_slice %arg4[%add3A_440, %dma_wait3A_446] : memref<819200x64xf32, #tpu.memory_space<hbm>> -> memref<256x64xf32, #tpu.memory_space<hbm>>
      %dma_wait3A_448 = arith.constant 0 : i32
      %dma_wait3A_449 = tpu.memref_slice %arg4[%add3A_440, %dma_wait3A_448] : memref<819200x64xf32, #tpu.memory_space<hbm>> -> memref<256x64xf32, #tpu.memory_space<hbm>>
      %dma_wait3A_450 = arith.constant 0 : i32
      %dma_wait3A_451 = arith.constant 0 : i32
      %dma_wait3A_452 = tpu.memref_slice %arg6[%dma_wait3A_441, %dma_wait3A_450, %dma_wait3A_451] : memref<5x256x64xf32, #tpu.memory_space<vmem>> -> memref<1x256x64xf32, #tpu.memory_space<vmem>>
      %dma_wait3A_453 = tpu.memref_squeeze %dma_wait3A_452 : memref<1x256x64xf32, #tpu.memory_space<vmem>> -> memref<256x64xf32, #tpu.memory_space<vmem>>
      tpu.wait_dma2 semaphore(%arg12 : memref<!tpu.dma_semaphore, #tpu.memory_space<semaphore_mem>>) src(%dma_wait3A_453 : memref<256x64xf32, #tpu.memory_space<vmem>>) dst(%dma_wait3A_449 : memref<256x64xf32, #tpu.memory_space<hbm>>)
      %add3A_454 = arith.constant 5 : i32
      %add3A_455 = arith.addi %add3A_437, %add3A_454 : i32
      %dma_start3A_456 = arith.constant 0 : i32
      %dma_start3A_457 = arith.constant 0 : i32
      %dma_start3A_458 = arith.constant 0 : i32
      %dma_start3A_459 = tpu.memref_slice %arg6[%dma_start3A_456, %dma_start3A_457, %dma_start3A_458] : memref<5x256x64xf32, #tpu.memory_space<vmem>> -> memref<1x256x64xf32, #tpu.memory_space<vmem>>
      %dma_start3A_460 = tpu.memref_squeeze %dma_start3A_459 : memref<1x256x64xf32, #tpu.memory_space<vmem>> -> memref<256x64xf32, #tpu.memory_space<vmem>>
      %dma_start3A_461 = arith.constant 0 : i32
      %dma_start3A_462 = tpu.memref_slice %arg5[%add3A_455, %dma_start3A_461] : memref<100x256xi32, #tpu.memory_space<vmem>> -> memref<1x256xi32, #tpu.memory_space<vmem>>
      %dma_start3A_463 = tpu.memref_squeeze %dma_start3A_462 : memref<1x256xi32, #tpu.memory_space<vmem>> -> memref<256xi32, #tpu.memory_space<vmem>>
      %dma_start3A_464 = arith.constant 0 : i32
      %dma_start3A_465 = arith.constant 0 : i32
      %dma_start3A_466 = tpu.memref_slice %arg3[%dma_start3A_464, %dma_start3A_465] : memref<1000000x64xf32, #tpu.memory_space<hbm>> -> memref<1000000x64xf32, #tpu.memory_space<hbm>>
      tpu.enqueue_indirect_dma source(%dma_start3A_466 : memref<1000000x64xf32, #tpu.memory_space<hbm>>) target(%dma_start3A_460 : memref<256x64xf32, #tpu.memory_space<vmem>>) offsets(%dma_start3A_463 : memref<256xi32, #tpu.memory_space<vmem>>) semaphore(%arg7 : memref<!tpu.dma_semaphore, #tpu.memory_space<semaphore_mem>>)
      %mul3A_467 = arith.constant 5 : i32
      %mul3A_468 = arith.muli %scan3A_278, %mul3A_467 : i32
      %add3A_469 = arith.constant 1 : i32
      %add3A_470 = arith.addi %mul3A_468, %add3A_469 : i32
      %mul3A_471 = arith.constant 256 : i32
      %mul3A_472 = arith.muli %add3A_470, %mul3A_471 : i32
      %add3A_473 = arith.addi %mul3A_2, %mul3A_472 : i32
      %dma_wait3A_474 = arith.constant 1 : i32
      %dma_wait3A_475 = arith.constant 0 : i32
      %dma_wait3A_476 = arith.constant 0 : i32
      %dma_wait3A_477 = tpu.memref_slice %arg6[%dma_wait3A_474, %dma_wait3A_475, %dma_wait3A_476] : memref<5x256x64xf32, #tpu.memory_space<vmem>> -> memref<1x256x64xf32, #tpu.memory_space<vmem>>
      %dma_wait3A_478 = tpu.memref_squeeze %dma_wait3A_477 : memref<1x256x64xf32, #tpu.memory_space<vmem>> -> memref<256x64xf32, #tpu.memory_space<vmem>>
      %dma_wait3A_479 = arith.constant 0 : i32
      %dma_wait3A_480 = tpu.memref_slice %arg4[%add3A_473, %dma_wait3A_479] : memref<819200x64xf32, #tpu.memory_space<hbm>> -> memref<256x64xf32, #tpu.memory_space<hbm>>
      %dma_wait3A_481 = arith.constant 0 : i32
      %dma_wait3A_482 = tpu.memref_slice %arg4[%add3A_473, %dma_wait3A_481] : memref<819200x64xf32, #tpu.memory_space<hbm>> -> memref<256x64xf32, #tpu.memory_space<hbm>>
      %dma_wait3A_483 = arith.constant 0 : i32
      %dma_wait3A_484 = arith.constant 0 : i32
      %dma_wait3A_485 = tpu.memref_slice %arg6[%dma_wait3A_474, %dma_wait3A_483, %dma_wait3A_484] : memref<5x256x64xf32, #tpu.memory_space<vmem>> -> memref<1x256x64xf32, #tpu.memory_space<vmem>>
      %dma_wait3A_486 = tpu.memref_squeeze %dma_wait3A_485 : memref<1x256x64xf32, #tpu.memory_space<vmem>> -> memref<256x64xf32, #tpu.memory_space<vmem>>
      tpu.wait_dma2 semaphore(%arg13 : memref<!tpu.dma_semaphore, #tpu.memory_space<semaphore_mem>>) src(%dma_wait3A_486 : memref<256x64xf32, #tpu.memory_space<vmem>>) dst(%dma_wait3A_482 : memref<256x64xf32, #tpu.memory_space<hbm>>)
      %add3A_487 = arith.constant 5 : i32
      %add3A_488 = arith.addi %add3A_470, %add3A_487 : i32
      %dma_start3A_489 = arith.constant 1 : i32
      %dma_start3A_490 = arith.constant 0 : i32
      %dma_start3A_491 = arith.constant 0 : i32
      %dma_start3A_492 = tpu.memref_slice %arg6[%dma_start3A_489, %dma_start3A_490, %dma_start3A_491] : memref<5x256x64xf32, #tpu.memory_space<vmem>> -> memref<1x256x64xf32, #tpu.memory_space<vmem>>
      %dma_start3A_493 = tpu.memref_squeeze %dma_start3A_492 : memref<1x256x64xf32, #tpu.memory_space<vmem>> -> memref<256x64xf32, #tpu.memory_space<vmem>>
      %dma_start3A_494 = arith.constant 0 : i32
      %dma_start3A_495 = tpu.memref_slice %arg5[%add3A_488, %dma_start3A_494] : memref<100x256xi32, #tpu.memory_space<vmem>> -> memref<1x256xi32, #tpu.memory_space<vmem>>
      %dma_start3A_496 = tpu.memref_squeeze %dma_start3A_495 : memref<1x256xi32, #tpu.memory_space<vmem>> -> memref<256xi32, #tpu.memory_space<vmem>>
      %dma_start3A_497 = arith.constant 0 : i32
      %dma_start3A_498 = arith.constant 0 : i32
      %dma_start3A_499 = tpu.memref_slice %arg3[%dma_start3A_497, %dma_start3A_498] : memref<1000000x64xf32, #tpu.memory_space<hbm>> -> memref<1000000x64xf32, #tpu.memory_space<hbm>>
      tpu.enqueue_indirect_dma source(%dma_start3A_499 : memref<1000000x64xf32, #tpu.memory_space<hbm>>) target(%dma_start3A_493 : memref<256x64xf32, #tpu.memory_space<vmem>>) offsets(%dma_start3A_496 : memref<256xi32, #tpu.memory_space<vmem>>) semaphore(%arg8 : memref<!tpu.dma_semaphore, #tpu.memory_space<semaphore_mem>>)
      %mul3A_500 = arith.constant 5 : i32
      %mul3A_501 = arith.muli %scan3A_278, %mul3A_500 : i32
      %add3A_502 = arith.constant 2 : i32
      %add3A_503 = arith.addi %mul3A_501, %add3A_502 : i32
      %mul3A_504 = arith.constant 256 : i32
      %mul3A_505 = arith.muli %add3A_503, %mul3A_504 : i32
      %add3A_506 = arith.addi %mul3A_2, %mul3A_505 : i32
      %dma_wait3A_507 = arith.constant 2 : i32
      %dma_wait3A_508 = arith.constant 0 : i32
      %dma_wait3A_509 = arith.constant 0 : i32
      %dma_wait3A_510 = tpu.memref_slice %arg6[%dma_wait3A_507, %dma_wait3A_508, %dma_wait3A_509] : memref<5x256x64xf32, #tpu.memory_space<vmem>> -> memref<1x256x64xf32, #tpu.memory_space<vmem>>
      %dma_wait3A_511 = tpu.memref_squeeze %dma_wait3A_510 : memref<1x256x64xf32, #tpu.memory_space<vmem>> -> memref<256x64xf32, #tpu.memory_space<vmem>>
      %dma_wait3A_512 = arith.constant 0 : i32
      %dma_wait3A_513 = tpu.memref_slice %arg4[%add3A_506, %dma_wait3A_512] : memref<819200x64xf32, #tpu.memory_space<hbm>> -> memref<256x64xf32, #tpu.memory_space<hbm>>
      %dma_wait3A_514 = arith.constant 0 : i32
      %dma_wait3A_515 = tpu.memref_slice %arg4[%add3A_506, %dma_wait3A_514] : memref<819200x64xf32, #tpu.memory_space<hbm>> -> memref<256x64xf32, #tpu.memory_space<hbm>>
      %dma_wait3A_516 = arith.constant 0 : i32
      %dma_wait3A_517 = arith.constant 0 : i32
      %dma_wait3A_518 = tpu.memref_slice %arg6[%dma_wait3A_507, %dma_wait3A_516, %dma_wait3A_517] : memref<5x256x64xf32, #tpu.memory_space<vmem>> -> memref<1x256x64xf32, #tpu.memory_space<vmem>>
      %dma_wait3A_519 = tpu.memref_squeeze %dma_wait3A_518 : memref<1x256x64xf32, #tpu.memory_space<vmem>> -> memref<256x64xf32, #tpu.memory_space<vmem>>
      tpu.wait_dma2 semaphore(%arg14 : memref<!tpu.dma_semaphore, #tpu.memory_space<semaphore_mem>>) src(%dma_wait3A_519 : memref<256x64xf32, #tpu.memory_space<vmem>>) dst(%dma_wait3A_515 : memref<256x64xf32, #tpu.memory_space<hbm>>)
      %add3A_520 = arith.constant 5 : i32
      %add3A_521 = arith.addi %add3A_503, %add3A_520 : i32
      %dma_start3A_522 = arith.constant 2 : i32
      %dma_start3A_523 = arith.constant 0 : i32
      %dma_start3A_524 = arith.constant 0 : i32
      %dma_start3A_525 = tpu.memref_slice %arg6[%dma_start3A_522, %dma_start3A_523, %dma_start3A_524] : memref<5x256x64xf32, #tpu.memory_space<vmem>> -> memref<1x256x64xf32, #tpu.memory_space<vmem>>
      %dma_start3A_526 = tpu.memref_squeeze %dma_start3A_525 : memref<1x256x64xf32, #tpu.memory_space<vmem>> -> memref<256x64xf32, #tpu.memory_space<vmem>>
      %dma_start3A_527 = arith.constant 0 : i32
      %dma_start3A_528 = tpu.memref_slice %arg5[%add3A_521, %dma_start3A_527] : memref<100x256xi32, #tpu.memory_space<vmem>> -> memref<1x256xi32, #tpu.memory_space<vmem>>
      %dma_start3A_529 = tpu.memref_squeeze %dma_start3A_528 : memref<1x256xi32, #tpu.memory_space<vmem>> -> memref<256xi32, #tpu.memory_space<vmem>>
      %dma_start3A_530 = arith.constant 0 : i32
      %dma_start3A_531 = arith.constant 0 : i32
      %dma_start3A_532 = tpu.memref_slice %arg3[%dma_start3A_530, %dma_start3A_531] : memref<1000000x64xf32, #tpu.memory_space<hbm>> -> memref<1000000x64xf32, #tpu.memory_space<hbm>>
      tpu.enqueue_indirect_dma source(%dma_start3A_532 : memref<1000000x64xf32, #tpu.memory_space<hbm>>) target(%dma_start3A_526 : memref<256x64xf32, #tpu.memory_space<vmem>>) offsets(%dma_start3A_529 : memref<256xi32, #tpu.memory_space<vmem>>) semaphore(%arg9 : memref<!tpu.dma_semaphore, #tpu.memory_space<semaphore_mem>>)
      %mul3A_533 = arith.constant 5 : i32
      %mul3A_534 = arith.muli %scan3A_278, %mul3A_533 : i32
      %add3A_535 = arith.constant 3 : i32
      %add3A_536 = arith.addi %mul3A_534, %add3A_535 : i32
      %mul3A_537 = arith.constant 256 : i32
      %mul3A_538 = arith.muli %add3A_536, %mul3A_537 : i32
      %add3A_539 = arith.addi %mul3A_2, %mul3A_538 : i32
      %dma_wait3A_540 = arith.constant 3 : i32
      %dma_wait3A_541 = arith.constant 0 : i32
      %dma_wait3A_542 = arith.constant 0 : i32
      %dma_wait3A_543 = tpu.memref_slice %arg6[%dma_wait3A_540, %dma_wait3A_541, %dma_wait3A_542] : memref<5x256x64xf32, #tpu.memory_space<vmem>> -> memref<1x256x64xf32, #tpu.memory_space<vmem>>
      %dma_wait3A_544 = tpu.memref_squeeze %dma_wait3A_543 : memref<1x256x64xf32, #tpu.memory_space<vmem>> -> memref<256x64xf32, #tpu.memory_space<vmem>>
      %dma_wait3A_545 = arith.constant 0 : i32
      %dma_wait3A_546 = tpu.memref_slice %arg4[%add3A_539, %dma_wait3A_545] : memref<819200x64xf32, #tpu.memory_space<hbm>> -> memref<256x64xf32, #tpu.memory_space<hbm>>
      %dma_wait3A_547 = arith.constant 0 : i32
      %dma_wait3A_548 = tpu.memref_slice %arg4[%add3A_539, %dma_wait3A_547] : memref<819200x64xf32, #tpu.memory_space<hbm>> -> memref<256x64xf32, #tpu.memory_space<hbm>>
      %dma_wait3A_549 = arith.constant 0 : i32
      %dma_wait3A_550 = arith.constant 0 : i32
      %dma_wait3A_551 = tpu.memref_slice %arg6[%dma_wait3A_540, %dma_wait3A_549, %dma_wait3A_550] : memref<5x256x64xf32, #tpu.memory_space<vmem>> -> memref<1x256x64xf32, #tpu.memory_space<vmem>>
      %dma_wait3A_552 = tpu.memref_squeeze %dma_wait3A_551 : memref<1x256x64xf32, #tpu.memory_space<vmem>> -> memref<256x64xf32, #tpu.memory_space<vmem>>
      tpu.wait_dma2 semaphore(%arg15 : memref<!tpu.dma_semaphore, #tpu.memory_space<semaphore_mem>>) src(%dma_wait3A_552 : memref<256x64xf32, #tpu.memory_space<vmem>>) dst(%dma_wait3A_548 : memref<256x64xf32, #tpu.memory_space<hbm>>)
      %add3A_553 = arith.constant 5 : i32
      %add3A_554 = arith.addi %add3A_536, %add3A_553 : i32
      %dma_start3A_555 = arith.constant 3 : i32
      %dma_start3A_556 = arith.constant 0 : i32
      %dma_start3A_557 = arith.constant 0 : i32
      %dma_start3A_558 = tpu.memref_slice %arg6[%dma_start3A_555, %dma_start3A_556, %dma_start3A_557] : memref<5x256x64xf32, #tpu.memory_space<vmem>> -> memref<1x256x64xf32, #tpu.memory_space<vmem>>
      %dma_start3A_559 = tpu.memref_squeeze %dma_start3A_558 : memref<1x256x64xf32, #tpu.memory_space<vmem>> -> memref<256x64xf32, #tpu.memory_space<vmem>>
      %dma_start3A_560 = arith.constant 0 : i32
      %dma_start3A_561 = tpu.memref_slice %arg5[%add3A_554, %dma_start3A_560] : memref<100x256xi32, #tpu.memory_space<vmem>> -> memref<1x256xi32, #tpu.memory_space<vmem>>
      %dma_start3A_562 = tpu.memref_squeeze %dma_start3A_561 : memref<1x256xi32, #tpu.memory_space<vmem>> -> memref<256xi32, #tpu.memory_space<vmem>>
      %dma_start3A_563 = arith.constant 0 : i32
      %dma_start3A_564 = arith.constant 0 : i32
      %dma_start3A_565 = tpu.memref_slice %arg3[%dma_start3A_563, %dma_start3A_564] : memref<1000000x64xf32, #tpu.memory_space<hbm>> -> memref<1000000x64xf32, #tpu.memory_space<hbm>>
      tpu.enqueue_indirect_dma source(%dma_start3A_565 : memref<1000000x64xf32, #tpu.memory_space<hbm>>) target(%dma_start3A_559 : memref<256x64xf32, #tpu.memory_space<vmem>>) offsets(%dma_start3A_562 : memref<256xi32, #tpu.memory_space<vmem>>) semaphore(%arg10 : memref<!tpu.dma_semaphore, #tpu.memory_space<semaphore_mem>>)
      %mul3A_566 = arith.constant 5 : i32
      %mul3A_567 = arith.muli %scan3A_278, %mul3A_566 : i32
      %add3A_568 = arith.constant 4 : i32
      %add3A_569 = arith.addi %mul3A_567, %add3A_568 : i32
      %mul3A_570 = arith.constant 256 : i32
      %mul3A_571 = arith.muli %add3A_569, %mul3A_570 : i32
      %add3A_572 = arith.addi %mul3A_2, %mul3A_571 : i32
      %dma_wait3A_573 = arith.constant 4 : i32
      %dma_wait3A_574 = arith.constant 0 : i32
      %dma_wait3A_575 = arith.constant 0 : i32
      %dma_wait3A_576 = tpu.memref_slice %arg6[%dma_wait3A_573, %dma_wait3A_574, %dma_wait3A_575] : memref<5x256x64xf32, #tpu.memory_space<vmem>> -> memref<1x256x64xf32, #tpu.memory_space<vmem>>
      %dma_wait3A_577 = tpu.memref_squeeze %dma_wait3A_576 : memref<1x256x64xf32, #tpu.memory_space<vmem>> -> memref<256x64xf32, #tpu.memory_space<vmem>>
      %dma_wait3A_578 = arith.constant 0 : i32
      %dma_wait3A_579 = tpu.memref_slice %arg4[%add3A_572, %dma_wait3A_578] : memref<819200x64xf32, #tpu.memory_space<hbm>> -> memref<256x64xf32, #tpu.memory_space<hbm>>
      %dma_wait3A_580 = arith.constant 0 : i32
      %dma_wait3A_581 = tpu.memref_slice %arg4[%add3A_572, %dma_wait3A_580] : memref<819200x64xf32, #tpu.memory_space<hbm>> -> memref<256x64xf32, #tpu.memory_space<hbm>>
      %dma_wait3A_582 = arith.constant 0 : i32
      %dma_wait3A_583 = arith.constant 0 : i32
      %dma_wait3A_584 = tpu.memref_slice %arg6[%dma_wait3A_573, %dma_wait3A_582, %dma_wait3A_583] : memref<5x256x64xf32, #tpu.memory_space<vmem>> -> memref<1x256x64xf32, #tpu.memory_space<vmem>>
      %dma_wait3A_585 = tpu.memref_squeeze %dma_wait3A_584 : memref<1x256x64xf32, #tpu.memory_space<vmem>> -> memref<256x64xf32, #tpu.memory_space<vmem>>
      tpu.wait_dma2 semaphore(%arg16 : memref<!tpu.dma_semaphore, #tpu.memory_space<semaphore_mem>>) src(%dma_wait3A_585 : memref<256x64xf32, #tpu.memory_space<vmem>>) dst(%dma_wait3A_581 : memref<256x64xf32, #tpu.memory_space<hbm>>)
      %add3A_586 = arith.constant 5 : i32
      %add3A_587 = arith.addi %add3A_569, %add3A_586 : i32
      %dma_start3A_588 = arith.constant 4 : i32
      %dma_start3A_589 = arith.constant 0 : i32
      %dma_start3A_590 = arith.constant 0 : i32
      %dma_start3A_591 = tpu.memref_slice %arg6[%dma_start3A_588, %dma_start3A_589, %dma_start3A_590] : memref<5x256x64xf32, #tpu.memory_space<vmem>> -> memref<1x256x64xf32, #tpu.memory_space<vmem>>
      %dma_start3A_592 = tpu.memref_squeeze %dma_start3A_591 : memref<1x256x64xf32, #tpu.memory_space<vmem>> -> memref<256x64xf32, #tpu.memory_space<vmem>>
      %dma_start3A_593 = arith.constant 0 : i32
      %dma_start3A_594 = tpu.memref_slice %arg5[%add3A_587, %dma_start3A_593] : memref<100x256xi32, #tpu.memory_space<vmem>> -> memref<1x256xi32, #tpu.memory_space<vmem>>
      %dma_start3A_595 = tpu.memref_squeeze %dma_start3A_594 : memref<1x256xi32, #tpu.memory_space<vmem>> -> memref<256xi32, #tpu.memory_space<vmem>>
      %dma_start3A_596 = arith.constant 0 : i32
      %dma_start3A_597 = arith.constant 0 : i32
      %dma_start3A_598 = tpu.memref_slice %arg3[%dma_start3A_596, %dma_start3A_597] : memref<1000000x64xf32, #tpu.memory_space<hbm>> -> memref<1000000x64xf32, #tpu.memory_space<hbm>>
      tpu.enqueue_indirect_dma source(%dma_start3A_598 : memref<1000000x64xf32, #tpu.memory_space<hbm>>) target(%dma_start3A_592 : memref<256x64xf32, #tpu.memory_space<vmem>>) offsets(%dma_start3A_595 : memref<256xi32, #tpu.memory_space<vmem>>) semaphore(%arg11 : memref<!tpu.dma_semaphore, #tpu.memory_space<semaphore_mem>>)
    }
    %scan3A_68 = arith.constant 19 : i32
    %dma_wait3A = arith.constant 95 : i32
    %dma_wait3A_69 = arith.constant 0 : i32
    %dma_wait3A_70 = arith.constant 0 : i32
    %dma_wait3A_71 = arith.constant 0 : i32
    %dma_wait3A_72 = tpu.memref_slice %arg6[%dma_wait3A_69, %dma_wait3A_70, %dma_wait3A_71] : memref<5x256x64xf32, #tpu.memory_space<vmem>> -> memref<1x256x64xf32, #tpu.memory_space<vmem>>
    %dma_wait3A_73 = tpu.memref_squeeze %dma_wait3A_72 : memref<1x256x64xf32, #tpu.memory_space<vmem>> -> memref<256x64xf32, #tpu.memory_space<vmem>>
    %dma_wait3A_74 = arith.constant 0 : i32
    %dma_wait3A_75 = tpu.memref_slice %arg5[%dma_wait3A, %dma_wait3A_74] : memref<100x256xi32, #tpu.memory_space<vmem>> -> memref<1x256xi32, #tpu.memory_space<vmem>>
    %dma_wait3A_76 = tpu.memref_squeeze %dma_wait3A_75 : memref<1x256xi32, #tpu.memory_space<vmem>> -> memref<256xi32, #tpu.memory_space<vmem>>
    %dma_wait3A_77 = arith.constant 0 : i32
    %dma_wait3A_78 = arith.constant 0 : i32
    %dma_wait3A_79 = tpu.memref_slice %arg3[%dma_wait3A_77, %dma_wait3A_78] : memref<1000000x64xf32, #tpu.memory_space<hbm>> -> memref<1000000x64xf32, #tpu.memory_space<hbm>>
    tpu.wait_indirect_dma semaphore(%arg7 : memref<!tpu.dma_semaphore, #tpu.memory_space<semaphore_mem>>) src(%dma_wait3A_79 : memref<1000000x64xf32, #tpu.memory_space<hbm>>) dst(%dma_wait3A_73 : memref<256x64xf32, #tpu.memory_space<vmem>>)
    %add3A_80 = arith.constant 24320 : i32
    %add3A_81 = arith.addi %mul3A_2, %add3A_80 : i32
    %dma_start3A_82 = arith.constant 0 : i32
    %dma_start3A_83 = arith.constant 0 : i32
    %dma_start3A_84 = arith.constant 0 : i32
    %dma_start3A_85 = tpu.memref_slice %arg6[%dma_start3A_82, %dma_start3A_83, %dma_start3A_84] : memref<5x256x64xf32, #tpu.memory_space<vmem>> -> memref<1x256x64xf32, #tpu.memory_space<vmem>>
    %dma_start3A_86 = tpu.memref_squeeze %dma_start3A_85 : memref<1x256x64xf32, #tpu.memory_space<vmem>> -> memref<256x64xf32, #tpu.memory_space<vmem>>
    %dma_start3A_87 = arith.constant 0 : i32
    %dma_start3A_88 = tpu.memref_slice %arg4[%add3A_81, %dma_start3A_87] : memref<819200x64xf32, #tpu.memory_space<hbm>> -> memref<256x64xf32, #tpu.memory_space<hbm>>
    %dma_start3A_89 = arith.constant 0 : i32
    %dma_start3A_90 = tpu.memref_slice %arg4[%add3A_81, %dma_start3A_89] : memref<819200x64xf32, #tpu.memory_space<hbm>> -> memref<256x64xf32, #tpu.memory_space<hbm>>
    %dma_start3A_91 = arith.constant 0 : i32
    %dma_start3A_92 = arith.constant 0 : i32
    %dma_start3A_93 = tpu.memref_slice %arg6[%dma_start3A_82, %dma_start3A_91, %dma_start3A_92] : memref<5x256x64xf32, #tpu.memory_space<vmem>> -> memref<1x256x64xf32, #tpu.memory_space<vmem>>
    %dma_start3A_94 = tpu.memref_squeeze %dma_start3A_93 : memref<1x256x64xf32, #tpu.memory_space<vmem>> -> memref<256x64xf32, #tpu.memory_space<vmem>>
    tpu.enqueue_dma source(%dma_start3A_94 : memref<256x64xf32, #tpu.memory_space<vmem>>) target(%dma_start3A_90 : memref<256x64xf32, #tpu.memory_space<hbm>>) target_semaphore(%arg12 : memref<!tpu.dma_semaphore, #tpu.memory_space<semaphore_mem>>)
    %dma_wait3A_95 = arith.constant 96 : i32
    %dma_wait3A_96 = arith.constant 1 : i32
    %dma_wait3A_97 = arith.constant 0 : i32
    %dma_wait3A_98 = arith.constant 0 : i32
    %dma_wait3A_99 = tpu.memref_slice %arg6[%dma_wait3A_96, %dma_wait3A_97, %dma_wait3A_98] : memref<5x256x64xf32, #tpu.memory_space<vmem>> -> memref<1x256x64xf32, #tpu.memory_space<vmem>>
    %dma_wait3A_100 = tpu.memref_squeeze %dma_wait3A_99 : memref<1x256x64xf32, #tpu.memory_space<vmem>> -> memref<256x64xf32, #tpu.memory_space<vmem>>
    %dma_wait3A_101 = arith.constant 0 : i32
    %dma_wait3A_102 = tpu.memref_slice %arg5[%dma_wait3A_95, %dma_wait3A_101] : memref<100x256xi32, #tpu.memory_space<vmem>> -> memref<1x256xi32, #tpu.memory_space<vmem>>
    %dma_wait3A_103 = tpu.memref_squeeze %dma_wait3A_102 : memref<1x256xi32, #tpu.memory_space<vmem>> -> memref<256xi32, #tpu.memory_space<vmem>>
    %dma_wait3A_104 = arith.constant 0 : i32
    %dma_wait3A_105 = arith.constant 0 : i32
    %dma_wait3A_106 = tpu.memref_slice %arg3[%dma_wait3A_104, %dma_wait3A_105] : memref<1000000x64xf32, #tpu.memory_space<hbm>> -> memref<1000000x64xf32, #tpu.memory_space<hbm>>
    tpu.wait_indirect_dma semaphore(%arg8 : memref<!tpu.dma_semaphore, #tpu.memory_space<semaphore_mem>>) src(%dma_wait3A_106 : memref<1000000x64xf32, #tpu.memory_space<hbm>>) dst(%dma_wait3A_100 : memref<256x64xf32, #tpu.memory_space<vmem>>)
    %add3A_107 = arith.constant 24576 : i32
    %add3A_108 = arith.addi %mul3A_2, %add3A_107 : i32
    %dma_start3A_109 = arith.constant 1 : i32
    %dma_start3A_110 = arith.constant 0 : i32
    %dma_start3A_111 = arith.constant 0 : i32
    %dma_start3A_112 = tpu.memref_slice %arg6[%dma_start3A_109, %dma_start3A_110, %dma_start3A_111] : memref<5x256x64xf32, #tpu.memory_space<vmem>> -> memref<1x256x64xf32, #tpu.memory_space<vmem>>
    %dma_start3A_113 = tpu.memref_squeeze %dma_start3A_112 : memref<1x256x64xf32, #tpu.memory_space<vmem>> -> memref<256x64xf32, #tpu.memory_space<vmem>>
    %dma_start3A_114 = arith.constant 0 : i32
    %dma_start3A_115 = tpu.memref_slice %arg4[%add3A_108, %dma_start3A_114] : memref<819200x64xf32, #tpu.memory_space<hbm>> -> memref<256x64xf32, #tpu.memory_space<hbm>>
    %dma_start3A_116 = arith.constant 0 : i32
    %dma_start3A_117 = tpu.memref_slice %arg4[%add3A_108, %dma_start3A_116] : memref<819200x64xf32, #tpu.memory_space<hbm>> -> memref<256x64xf32, #tpu.memory_space<hbm>>
    %dma_start3A_118 = arith.constant 0 : i32
    %dma_start3A_119 = arith.constant 0 : i32
    %dma_start3A_120 = tpu.memref_slice %arg6[%dma_start3A_109, %dma_start3A_118, %dma_start3A_119] : memref<5x256x64xf32, #tpu.memory_space<vmem>> -> memref<1x256x64xf32, #tpu.memory_space<vmem>>
    %dma_start3A_121 = tpu.memref_squeeze %dma_start3A_120 : memref<1x256x64xf32, #tpu.memory_space<vmem>> -> memref<256x64xf32, #tpu.memory_space<vmem>>
    tpu.enqueue_dma source(%dma_start3A_121 : memref<256x64xf32, #tpu.memory_space<vmem>>) target(%dma_start3A_117 : memref<256x64xf32, #tpu.memory_space<hbm>>) target_semaphore(%arg13 : memref<!tpu.dma_semaphore, #tpu.memory_space<semaphore_mem>>)
    %dma_wait3A_122 = arith.constant 97 : i32
    %dma_wait3A_123 = arith.constant 2 : i32
    %dma_wait3A_124 = arith.constant 0 : i32
    %dma_wait3A_125 = arith.constant 0 : i32
    %dma_wait3A_126 = tpu.memref_slice %arg6[%dma_wait3A_123, %dma_wait3A_124, %dma_wait3A_125] : memref<5x256x64xf32, #tpu.memory_space<vmem>> -> memref<1x256x64xf32, #tpu.memory_space<vmem>>
    %dma_wait3A_127 = tpu.memref_squeeze %dma_wait3A_126 : memref<1x256x64xf32, #tpu.memory_space<vmem>> -> memref<256x64xf32, #tpu.memory_space<vmem>>
    %dma_wait3A_128 = arith.constant 0 : i32
    %dma_wait3A_129 = tpu.memref_slice %arg5[%dma_wait3A_122, %dma_wait3A_128] : memref<100x256xi32, #tpu.memory_space<vmem>> -> memref<1x256xi32, #tpu.memory_space<vmem>>
    %dma_wait3A_130 = tpu.memref_squeeze %dma_wait3A_129 : memref<1x256xi32, #tpu.memory_space<vmem>> -> memref<256xi32, #tpu.memory_space<vmem>>
    %dma_wait3A_131 = arith.constant 0 : i32
    %dma_wait3A_132 = arith.constant 0 : i32
    %dma_wait3A_133 = tpu.memref_slice %arg3[%dma_wait3A_131, %dma_wait3A_132] : memref<1000000x64xf32, #tpu.memory_space<hbm>> -> memref<1000000x64xf32, #tpu.memory_space<hbm>>
    tpu.wait_indirect_dma semaphore(%arg9 : memref<!tpu.dma_semaphore, #tpu.memory_space<semaphore_mem>>) src(%dma_wait3A_133 : memref<1000000x64xf32, #tpu.memory_space<hbm>>) dst(%dma_wait3A_127 : memref<256x64xf32, #tpu.memory_space<vmem>>)
    %add3A_134 = arith.constant 24832 : i32
    %add3A_135 = arith.addi %mul3A_2, %add3A_134 : i32
    %dma_start3A_136 = arith.constant 2 : i32
    %dma_start3A_137 = arith.constant 0 : i32
    %dma_start3A_138 = arith.constant 0 : i32
    %dma_start3A_139 = tpu.memref_slice %arg6[%dma_start3A_136, %dma_start3A_137, %dma_start3A_138] : memref<5x256x64xf32, #tpu.memory_space<vmem>> -> memref<1x256x64xf32, #tpu.memory_space<vmem>>
    %dma_start3A_140 = tpu.memref_squeeze %dma_start3A_139 : memref<1x256x64xf32, #tpu.memory_space<vmem>> -> memref<256x64xf32, #tpu.memory_space<vmem>>
    %dma_start3A_141 = arith.constant 0 : i32
    %dma_start3A_142 = tpu.memref_slice %arg4[%add3A_135, %dma_start3A_141] : memref<819200x64xf32, #tpu.memory_space<hbm>> -> memref<256x64xf32, #tpu.memory_space<hbm>>
    %dma_start3A_143 = arith.constant 0 : i32
    %dma_start3A_144 = tpu.memref_slice %arg4[%add3A_135, %dma_start3A_143] : memref<819200x64xf32, #tpu.memory_space<hbm>> -> memref<256x64xf32, #tpu.memory_space<hbm>>
    %dma_start3A_145 = arith.constant 0 : i32
    %dma_start3A_146 = arith.constant 0 : i32
    %dma_start3A_147 = tpu.memref_slice %arg6[%dma_start3A_136, %dma_start3A_145, %dma_start3A_146] : memref<5x256x64xf32, #tpu.memory_space<vmem>> -> memref<1x256x64xf32, #tpu.memory_space<vmem>>
    %dma_start3A_148 = tpu.memref_squeeze %dma_start3A_147 : memref<1x256x64xf32, #tpu.memory_space<vmem>> -> memref<256x64xf32, #tpu.memory_space<vmem>>
    tpu.enqueue_dma source(%dma_start3A_148 : memref<256x64xf32, #tpu.memory_space<vmem>>) target(%dma_start3A_144 : memref<256x64xf32, #tpu.memory_space<hbm>>) target_semaphore(%arg14 : memref<!tpu.dma_semaphore, #tpu.memory_space<semaphore_mem>>)
    %dma_wait3A_149 = arith.constant 98 : i32
    %dma_wait3A_150 = arith.constant 3 : i32
    %dma_wait3A_151 = arith.constant 0 : i32
    %dma_wait3A_152 = arith.constant 0 : i32
    %dma_wait3A_153 = tpu.memref_slice %arg6[%dma_wait3A_150, %dma_wait3A_151, %dma_wait3A_152] : memref<5x256x64xf32, #tpu.memory_space<vmem>> -> memref<1x256x64xf32, #tpu.memory_space<vmem>>
    %dma_wait3A_154 = tpu.memref_squeeze %dma_wait3A_153 : memref<1x256x64xf32, #tpu.memory_space<vmem>> -> memref<256x64xf32, #tpu.memory_space<vmem>>
    %dma_wait3A_155 = arith.constant 0 : i32
    %dma_wait3A_156 = tpu.memref_slice %arg5[%dma_wait3A_149, %dma_wait3A_155] : memref<100x256xi32, #tpu.memory_space<vmem>> -> memref<1x256xi32, #tpu.memory_space<vmem>>
    %dma_wait3A_157 = tpu.memref_squeeze %dma_wait3A_156 : memref<1x256xi32, #tpu.memory_space<vmem>> -> memref<256xi32, #tpu.memory_space<vmem>>
    %dma_wait3A_158 = arith.constant 0 : i32
    %dma_wait3A_159 = arith.constant 0 : i32
    %dma_wait3A_160 = tpu.memref_slice %arg3[%dma_wait3A_158, %dma_wait3A_159] : memref<1000000x64xf32, #tpu.memory_space<hbm>> -> memref<1000000x64xf32, #tpu.memory_space<hbm>>
    tpu.wait_indirect_dma semaphore(%arg10 : memref<!tpu.dma_semaphore, #tpu.memory_space<semaphore_mem>>) src(%dma_wait3A_160 : memref<1000000x64xf32, #tpu.memory_space<hbm>>) dst(%dma_wait3A_154 : memref<256x64xf32, #tpu.memory_space<vmem>>)
    %add3A_161 = arith.constant 25088 : i32
    %add3A_162 = arith.addi %mul3A_2, %add3A_161 : i32
    %dma_start3A_163 = arith.constant 3 : i32
    %dma_start3A_164 = arith.constant 0 : i32
    %dma_start3A_165 = arith.constant 0 : i32
    %dma_start3A_166 = tpu.memref_slice %arg6[%dma_start3A_163, %dma_start3A_164, %dma_start3A_165] : memref<5x256x64xf32, #tpu.memory_space<vmem>> -> memref<1x256x64xf32, #tpu.memory_space<vmem>>
    %dma_start3A_167 = tpu.memref_squeeze %dma_start3A_166 : memref<1x256x64xf32, #tpu.memory_space<vmem>> -> memref<256x64xf32, #tpu.memory_space<vmem>>
    %dma_start3A_168 = arith.constant 0 : i32
    %dma_start3A_169 = tpu.memref_slice %arg4[%add3A_162, %dma_start3A_168] : memref<819200x64xf32, #tpu.memory_space<hbm>> -> memref<256x64xf32, #tpu.memory_space<hbm>>
    %dma_start3A_170 = arith.constant 0 : i32
    %dma_start3A_171 = tpu.memref_slice %arg4[%add3A_162, %dma_start3A_170] : memref<819200x64xf32, #tpu.memory_space<hbm>> -> memref<256x64xf32, #tpu.memory_space<hbm>>
    %dma_start3A_172 = arith.constant 0 : i32
    %dma_start3A_173 = arith.constant 0 : i32
    %dma_start3A_174 = tpu.memref_slice %arg6[%dma_start3A_163, %dma_start3A_172, %dma_start3A_173] : memref<5x256x64xf32, #tpu.memory_space<vmem>> -> memref<1x256x64xf32, #tpu.memory_space<vmem>>
    %dma_start3A_175 = tpu.memref_squeeze %dma_start3A_174 : memref<1x256x64xf32, #tpu.memory_space<vmem>> -> memref<256x64xf32, #tpu.memory_space<vmem>>
    tpu.enqueue_dma source(%dma_start3A_175 : memref<256x64xf32, #tpu.memory_space<vmem>>) target(%dma_start3A_171 : memref<256x64xf32, #tpu.memory_space<hbm>>) target_semaphore(%arg15 : memref<!tpu.dma_semaphore, #tpu.memory_space<semaphore_mem>>)
    %dma_wait3A_176 = arith.constant 99 : i32
    %dma_wait3A_177 = arith.constant 4 : i32
    %dma_wait3A_178 = arith.constant 0 : i32
    %dma_wait3A_179 = arith.constant 0 : i32
    %dma_wait3A_180 = tpu.memref_slice %arg6[%dma_wait3A_177, %dma_wait3A_178, %dma_wait3A_179] : memref<5x256x64xf32, #tpu.memory_space<vmem>> -> memref<1x256x64xf32, #tpu.memory_space<vmem>>
    %dma_wait3A_181 = tpu.memref_squeeze %dma_wait3A_180 : memref<1x256x64xf32, #tpu.memory_space<vmem>> -> memref<256x64xf32, #tpu.memory_space<vmem>>
    %dma_wait3A_182 = arith.constant 0 : i32
    %dma_wait3A_183 = tpu.memref_slice %arg5[%dma_wait3A_176, %dma_wait3A_182] : memref<100x256xi32, #tpu.memory_space<vmem>> -> memref<1x256xi32, #tpu.memory_space<vmem>>
    %dma_wait3A_184 = tpu.memref_squeeze %dma_wait3A_183 : memref<1x256xi32, #tpu.memory_space<vmem>> -> memref<256xi32, #tpu.memory_space<vmem>>
    %dma_wait3A_185 = arith.constant 0 : i32
    %dma_wait3A_186 = arith.constant 0 : i32
    %dma_wait3A_187 = tpu.memref_slice %arg3[%dma_wait3A_185, %dma_wait3A_186] : memref<1000000x64xf32, #tpu.memory_space<hbm>> -> memref<1000000x64xf32, #tpu.memory_space<hbm>>
    tpu.wait_indirect_dma semaphore(%arg11 : memref<!tpu.dma_semaphore, #tpu.memory_space<semaphore_mem>>) src(%dma_wait3A_187 : memref<1000000x64xf32, #tpu.memory_space<hbm>>) dst(%dma_wait3A_181 : memref<256x64xf32, #tpu.memory_space<vmem>>)
    %add3A_188 = arith.constant 25344 : i32
    %add3A_189 = arith.addi %mul3A_2, %add3A_188 : i32
    %dma_start3A_190 = arith.constant 4 : i32
    %dma_start3A_191 = arith.constant 0 : i32
    %dma_start3A_192 = arith.constant 0 : i32
    %dma_start3A_193 = tpu.memref_slice %arg6[%dma_start3A_190, %dma_start3A_191, %dma_start3A_192] : memref<5x256x64xf32, #tpu.memory_space<vmem>> -> memref<1x256x64xf32, #tpu.memory_space<vmem>>
    %dma_start3A_194 = tpu.memref_squeeze %dma_start3A_193 : memref<1x256x64xf32, #tpu.memory_space<vmem>> -> memref<256x64xf32, #tpu.memory_space<vmem>>
    %dma_start3A_195 = arith.constant 0 : i32
    %dma_start3A_196 = tpu.memref_slice %arg4[%add3A_189, %dma_start3A_195] : memref<819200x64xf32, #tpu.memory_space<hbm>> -> memref<256x64xf32, #tpu.memory_space<hbm>>
    %dma_start3A_197 = arith.constant 0 : i32
    %dma_start3A_198 = tpu.memref_slice %arg4[%add3A_189, %dma_start3A_197] : memref<819200x64xf32, #tpu.memory_space<hbm>> -> memref<256x64xf32, #tpu.memory_space<hbm>>
    %dma_start3A_199 = arith.constant 0 : i32
    %dma_start3A_200 = arith.constant 0 : i32
    %dma_start3A_201 = tpu.memref_slice %arg6[%dma_start3A_190, %dma_start3A_199, %dma_start3A_200] : memref<5x256x64xf32, #tpu.memory_space<vmem>> -> memref<1x256x64xf32, #tpu.memory_space<vmem>>
    %dma_start3A_202 = tpu.memref_squeeze %dma_start3A_201 : memref<1x256x64xf32, #tpu.memory_space<vmem>> -> memref<256x64xf32, #tpu.memory_space<vmem>>
    tpu.enqueue_dma source(%dma_start3A_202 : memref<256x64xf32, #tpu.memory_space<vmem>>) target(%dma_start3A_198 : memref<256x64xf32, #tpu.memory_space<hbm>>) target_semaphore(%arg16 : memref<!tpu.dma_semaphore, #tpu.memory_space<semaphore_mem>>)
    %add3A_203 = arith.constant 24320 : i32
    %add3A_204 = arith.addi %mul3A_2, %add3A_203 : i32
    %dma_wait3A_205 = arith.constant 0 : i32
    %dma_wait3A_206 = arith.constant 0 : i32
    %dma_wait3A_207 = arith.constant 0 : i32
    %dma_wait3A_208 = tpu.memref_slice %arg6[%dma_wait3A_205, %dma_wait3A_206, %dma_wait3A_207] : memref<5x256x64xf32, #tpu.memory_space<vmem>> -> memref<1x256x64xf32, #tpu.memory_space<vmem>>
    %dma_wait3A_209 = tpu.memref_squeeze %dma_wait3A_208 : memref<1x256x64xf32, #tpu.memory_space<vmem>> -> memref<256x64xf32, #tpu.memory_space<vmem>>
    %dma_wait3A_210 = arith.constant 0 : i32
    %dma_wait3A_211 = tpu.memref_slice %arg4[%add3A_204, %dma_wait3A_210] : memref<819200x64xf32, #tpu.memory_space<hbm>> -> memref<256x64xf32, #tpu.memory_space<hbm>>
    %dma_wait3A_212 = arith.constant 0 : i32
    %dma_wait3A_213 = tpu.memref_slice %arg4[%add3A_204, %dma_wait3A_212] : memref<819200x64xf32, #tpu.memory_space<hbm>> -> memref<256x64xf32, #tpu.memory_space<hbm>>
    %dma_wait3A_214 = arith.constant 0 : i32
    %dma_wait3A_215 = arith.constant 0 : i32
    %dma_wait3A_216 = tpu.memref_slice %arg6[%dma_wait3A_205, %dma_wait3A_214, %dma_wait3A_215] : memref<5x256x64xf32, #tpu.memory_space<vmem>> -> memref<1x256x64xf32, #tpu.memory_space<vmem>>
    %dma_wait3A_217 = tpu.memref_squeeze %dma_wait3A_216 : memref<1x256x64xf32, #tpu.memory_space<vmem>> -> memref<256x64xf32, #tpu.memory_space<vmem>>
    tpu.wait_dma2 semaphore(%arg12 : memref<!tpu.dma_semaphore, #tpu.memory_space<semaphore_mem>>) src(%dma_wait3A_217 : memref<256x64xf32, #tpu.memory_space<vmem>>) dst(%dma_wait3A_213 : memref<256x64xf32, #tpu.memory_space<hbm>>)
    %add3A_218 = arith.constant 24576 : i32
    %add3A_219 = arith.addi %mul3A_2, %add3A_218 : i32
    %dma_wait3A_220 = arith.constant 1 : i32
    %dma_wait3A_221 = arith.constant 0 : i32
    %dma_wait3A_222 = arith.constant 0 : i32
    %dma_wait3A_223 = tpu.memref_slice %arg6[%dma_wait3A_220, %dma_wait3A_221, %dma_wait3A_222] : memref<5x256x64xf32, #tpu.memory_space<vmem>> -> memref<1x256x64xf32, #tpu.memory_space<vmem>>
    %dma_wait3A_224 = tpu.memref_squeeze %dma_wait3A_223 : memref<1x256x64xf32, #tpu.memory_space<vmem>> -> memref<256x64xf32, #tpu.memory_space<vmem>>
    %dma_wait3A_225 = arith.constant 0 : i32
    %dma_wait3A_226 = tpu.memref_slice %arg4[%add3A_219, %dma_wait3A_225] : memref<819200x64xf32, #tpu.memory_space<hbm>> -> memref<256x64xf32, #tpu.memory_space<hbm>>
    %dma_wait3A_227 = arith.constant 0 : i32
    %dma_wait3A_228 = tpu.memref_slice %arg4[%add3A_219, %dma_wait3A_227] : memref<819200x64xf32, #tpu.memory_space<hbm>> -> memref<256x64xf32, #tpu.memory_space<hbm>>
    %dma_wait3A_229 = arith.constant 0 : i32
    %dma_wait3A_230 = arith.constant 0 : i32
    %dma_wait3A_231 = tpu.memref_slice %arg6[%dma_wait3A_220, %dma_wait3A_229, %dma_wait3A_230] : memref<5x256x64xf32, #tpu.memory_space<vmem>> -> memref<1x256x64xf32, #tpu.memory_space<vmem>>
    %dma_wait3A_232 = tpu.memref_squeeze %dma_wait3A_231 : memref<1x256x64xf32, #tpu.memory_space<vmem>> -> memref<256x64xf32, #tpu.memory_space<vmem>>
    tpu.wait_dma2 semaphore(%arg13 : memref<!tpu.dma_semaphore, #tpu.memory_space<semaphore_mem>>) src(%dma_wait3A_232 : memref<256x64xf32, #tpu.memory_space<vmem>>) dst(%dma_wait3A_228 : memref<256x64xf32, #tpu.memory_space<hbm>>)
    %add3A_233 = arith.constant 24832 : i32
    %add3A_234 = arith.addi %mul3A_2, %add3A_233 : i32
    %dma_wait3A_235 = arith.constant 2 : i32
    %dma_wait3A_236 = arith.constant 0 : i32
    %dma_wait3A_237 = arith.constant 0 : i32
    %dma_wait3A_238 = tpu.memref_slice %arg6[%dma_wait3A_235, %dma_wait3A_236, %dma_wait3A_237] : memref<5x256x64xf32, #tpu.memory_space<vmem>> -> memref<1x256x64xf32, #tpu.memory_space<vmem>>
    %dma_wait3A_239 = tpu.memref_squeeze %dma_wait3A_238 : memref<1x256x64xf32, #tpu.memory_space<vmem>> -> memref<256x64xf32, #tpu.memory_space<vmem>>
    %dma_wait3A_240 = arith.constant 0 : i32
    %dma_wait3A_241 = tpu.memref_slice %arg4[%add3A_234, %dma_wait3A_240] : memref<819200x64xf32, #tpu.memory_space<hbm>> -> memref<256x64xf32, #tpu.memory_space<hbm>>
    %dma_wait3A_242 = arith.constant 0 : i32
    %dma_wait3A_243 = tpu.memref_slice %arg4[%add3A_234, %dma_wait3A_242] : memref<819200x64xf32, #tpu.memory_space<hbm>> -> memref<256x64xf32, #tpu.memory_space<hbm>>
    %dma_wait3A_244 = arith.constant 0 : i32
    %dma_wait3A_245 = arith.constant 0 : i32
    %dma_wait3A_246 = tpu.memref_slice %arg6[%dma_wait3A_235, %dma_wait3A_244, %dma_wait3A_245] : memref<5x256x64xf32, #tpu.memory_space<vmem>> -> memref<1x256x64xf32, #tpu.memory_space<vmem>>
    %dma_wait3A_247 = tpu.memref_squeeze %dma_wait3A_246 : memref<1x256x64xf32, #tpu.memory_space<vmem>> -> memref<256x64xf32, #tpu.memory_space<vmem>>
    tpu.wait_dma2 semaphore(%arg14 : memref<!tpu.dma_semaphore, #tpu.memory_space<semaphore_mem>>) src(%dma_wait3A_247 : memref<256x64xf32, #tpu.memory_space<vmem>>) dst(%dma_wait3A_243 : memref<256x64xf32, #tpu.memory_space<hbm>>)
    %add3A_248 = arith.constant 25088 : i32
    %add3A_249 = arith.addi %mul3A_2, %add3A_248 : i32
    %dma_wait3A_250 = arith.constant 3 : i32
    %dma_wait3A_251 = arith.constant 0 : i32
    %dma_wait3A_252 = arith.constant 0 : i32
    %dma_wait3A_253 = tpu.memref_slice %arg6[%dma_wait3A_250, %dma_wait3A_251, %dma_wait3A_252] : memref<5x256x64xf32, #tpu.memory_space<vmem>> -> memref<1x256x64xf32, #tpu.memory_space<vmem>>
    %dma_wait3A_254 = tpu.memref_squeeze %dma_wait3A_253 : memref<1x256x64xf32, #tpu.memory_space<vmem>> -> memref<256x64xf32, #tpu.memory_space<vmem>>
    %dma_wait3A_255 = arith.constant 0 : i32
    %dma_wait3A_256 = tpu.memref_slice %arg4[%add3A_249, %dma_wait3A_255] : memref<819200x64xf32, #tpu.memory_space<hbm>> -> memref<256x64xf32, #tpu.memory_space<hbm>>
    %dma_wait3A_257 = arith.constant 0 : i32
    %dma_wait3A_258 = tpu.memref_slice %arg4[%add3A_249, %dma_wait3A_257] : memref<819200x64xf32, #tpu.memory_space<hbm>> -> memref<256x64xf32, #tpu.memory_space<hbm>>
    %dma_wait3A_259 = arith.constant 0 : i32
    %dma_wait3A_260 = arith.constant 0 : i32
    %dma_wait3A_261 = tpu.memref_slice %arg6[%dma_wait3A_250, %dma_wait3A_259, %dma_wait3A_260] : memref<5x256x64xf32, #tpu.memory_space<vmem>> -> memref<1x256x64xf32, #tpu.memory_space<vmem>>
    %dma_wait3A_262 = tpu.memref_squeeze %dma_wait3A_261 : memref<1x256x64xf32, #tpu.memory_space<vmem>> -> memref<256x64xf32, #tpu.memory_space<vmem>>
    tpu.wait_dma2 semaphore(%arg15 : memref<!tpu.dma_semaphore, #tpu.memory_space<semaphore_mem>>) src(%dma_wait3A_262 : memref<256x64xf32, #tpu.memory_space<vmem>>) dst(%dma_wait3A_258 : memref<256x64xf32, #tpu.memory_space<hbm>>)
    %add3A_263 = arith.constant 25344 : i32
    %add3A_264 = arith.addi %mul3A_2, %add3A_263 : i32
    %dma_wait3A_265 = arith.constant 4 : i32
    %dma_wait3A_266 = arith.constant 0 : i32
    %dma_wait3A_267 = arith.constant 0 : i32
    %dma_wait3A_268 = tpu.memref_slice %arg6[%dma_wait3A_265, %dma_wait3A_266, %dma_wait3A_267] : memref<5x256x64xf32, #tpu.memory_space<vmem>> -> memref<1x256x64xf32, #tpu.memory_space<vmem>>
    %dma_wait3A_269 = tpu.memref_squeeze %dma_wait3A_268 : memref<1x256x64xf32, #tpu.memory_space<vmem>> -> memref<256x64xf32, #tpu.memory_space<vmem>>
    %dma_wait3A_270 = arith.constant 0 : i32
    %dma_wait3A_271 = tpu.memref_slice %arg4[%add3A_264, %dma_wait3A_270] : memref<819200x64xf32, #tpu.memory_space<hbm>> -> memref<256x64xf32, #tpu.memory_space<hbm>>
    %dma_wait3A_272 = arith.constant 0 : i32
    %dma_wait3A_273 = tpu.memref_slice %arg4[%add3A_264, %dma_wait3A_272] : memref<819200x64xf32, #tpu.memory_space<hbm>> -> memref<256x64xf32, #tpu.memory_space<hbm>>
    %dma_wait3A_274 = arith.constant 0 : i32
    %dma_wait3A_275 = arith.constant 0 : i32
    %dma_wait3A_276 = tpu.memref_slice %arg6[%dma_wait3A_265, %dma_wait3A_274, %dma_wait3A_275] : memref<5x256x64xf32, #tpu.memory_space<vmem>> -> memref<1x256x64xf32, #tpu.memory_space<vmem>>
    %dma_wait3A_277 = tpu.memref_squeeze %dma_wait3A_276 : memref<1x256x64xf32, #tpu.memory_space<vmem>> -> memref<256x64xf32, #tpu.memory_space<vmem>>
    tpu.wait_dma2 semaphore(%arg16 : memref<!tpu.dma_semaphore, #tpu.memory_space<semaphore_mem>>) src(%dma_wait3A_277 : memref<256x64xf32, #tpu.memory_space<vmem>>) dst(%dma_wait3A_273 : memref<256x64xf32, #tpu.memory_space<hbm>>)
    return
  }
}

</mosaic_0001>

<sc_bundles>
// kernel: kernel.3.cloned.1.call-start
scs
__scs_entry_jumppad:
0x0: {  	(pc) =	sbr.rel $0x88, $3  }
0x1: {  	(tag) =	ssettag $0x0;
	lr =	simm.s32 $0x1  }
0x2: {  	[smem:$0x3F9F] =	sst lr;
	_ =	strace $0xD0000000  }
0x3: {  	_ = 	snop  }
0x4: {  	_ = 	snop  }
0x5: {  	_ = 	snop  }
0x6: {  	_ = 	snop  }
0x7: {  	_ = 	snop  }
__scs_overlays_trampoline_lowered:
0x8: {  	[smem:$0x3FAE] =	sst s0  }
0x9: {  	[smem:$0x3FAF] =	sst s1  }
0xa: {  	[smem:$0x3FB0] =	sst s2  }
0xb: {  	[smem:$0x3FB1] =	sst s3  }
0xc: {  	[smem:$0x3FB2] =	sst s4  }
0xd: {  	[smem:$0x3FB3] =	sst s5  }
0xe: {  	[smem:$0x3FB4] =	sst s6  }
0xf: {  	[smem:$0x3FB5] =	sst s7  }
0x10: {  	[smem:$0x3FB6] =	sst s8  }
0x11: {  	[smem:$0x3FB7] =	sst s9;
	s0 =	simm.s32 @!p0 $0x0  }
0x12: {  	s1 =	sld [smem:$0x3F9D];
	s0 =	simm.s32 @p0 $0x1  }
0x13: {  	[smem:$0x3FB8] =	sst s0;
	s0 =	simm.s32 @!p1 $0x0  }
0x14: {  	s2 =	sld [smem:$0x3F9C];
	s0 =	simm.s32 @p1 $0x1  }
0x15: {  	[smem:$0x3FB9] =	sst s0;
	s0 =	simm.s32 @!p2 $0x0  }
0x16: {  	s3 =	sld [smem:$0x3FDB];
	s0 =	simm.s32 @p2 $0x1  }
0x17: {  	s4 =	simm.s32 $0x1BF5;
	[smem:$0x3FBB] =	sst s0  }
0x18: {  	s0 =	sld [smem:$0x3F9E];
	_ =	swait.ge [sflag:s4], $0x0  }
0x19: {  	s7 =	sld [smem:$0x3F9F]  }
0x1a: {  	s8 =	sadd.s32 $0xFFFFE003, lr  }
0x1b: {  	s9 =	sadd.s32 $0xFFFFFEF7, lr;
	s5 =	simm.s32 $0xFFFFFFFF;
	p2 =	slt.u32 s8, $0xFFFFF086  }
0x1c: {  	p1 =	slt.u32 s9, $0xF7A;
	s5 =	simm.s32 @!p2 $0x0  }
0x1d: {  	s5 =	simm.s32 @p1 $0x1;
	p0 =	seq.s32 s7, s2  }
0x1e: {  	s7 =	smul.u32 @!p0 $0xF7A, s2;
	p2 =	seq.s32 @!p0 s5, $0x0  }
0x1f: {  	s9 =	smul.u32 $0xF7A, s1;
	s8 =	simm.s32 @!p0 $0x1BF5;
	p2 =	por !p2, p0  }
0x20: {  	[sflag:s8] =	ssyncset.s32 @!p0 $0xFFFFF086;
	s6 =	sadd.s32 @!p0 s3, s7;
	s7 =	simm.s32 @!p0 $0x108  }
0x21: {  	s3 =	sadd.s32 s3, s9;
	s6 =	sadd.s32 @!p0 $0x88, s6;
	s7 =	simm.s32 @p2 $0x1082  }
0x22: {  	[simem:s7], [sflag:s8] =	dma.local @!p0 [hbm:s6], $0xF7A  }
0x23: {  	s9 =	sor.u32 $0xD0000000, s2;
	s6 =	simm.s32 $0x108;
	_ =	swait.ge @!p0 [sflag:s8], $0x0  }
0x24: {  	s3 =	sadd.s32 $0x88, s3;
	s6 =	simm.s32 @!p1 $0x1082;
	[sflag:s4] =	ssyncset.s32 $0xFFFFF086  }
0x25: {  	[simem:s6], [sflag:s4] =	dma.local [hbm:s3], $0xF7A  }
0x26: {  	[smem:$0x3F9F] =	sst s1;
	(tag) =	ssettag s2;
	_ =	strace s9  }
0x27: {  	s1 =	sld [smem:$0x3FAF]  }
0x28: {  	s2 =	sld [smem:$0x3FB0]  }
0x29: {  	s4 =	sld [smem:$0x3FB2]  }
0x2a: {  	p0 =	seq.s32 s5, $0x0;
	s5 =	sld [smem:$0x3FB3]  }
0x2b: {  	s6 =	sld [smem:$0x3FB4]  }
0x2c: {  	s7 =	sld [smem:$0x3FB5]  }
0x2d: {  	s3 =	simm.s32 $0x108;
	s8 =	sld [smem:$0x3FB6]  }
0x2e: {  	s3 =	simm.s32 @!p0 $0x1082;
	s9 =	sld [smem:$0x3FB7]  }
0x2f: {  	lr =	sadd.s32 s0, s3;
	s0 =	sld [smem:$0x3FAE]  }
0x30: {  	s3 =	sld [smem:$0x3FB1]  }
0x31: {  	[smem:$0x3FBA] =	sst s10  }
0x32: {  	s10 =	sld [smem:$0x3FB8];
	_ =	sdelay $0x3  }
0x33: {  	p0 =	seq.s32 s10, $0x1;
	s10 =	sld [smem:$0x3FBA];
	_ =	sdelay $0x3  }
0x34: {  	[smem:$0x3FBA] =	sst s10  }
0x35: {  	s10 =	sld [smem:$0x3FB9];
	_ =	sdelay $0x3  }
0x36: {  	p1 =	seq.s32 s10, $0x1;
	s10 =	sld [smem:$0x3FBA];
	_ =	sdelay $0x3  }
0x37: {  	[smem:$0x3FBA] =	sst s10  }
0x38: {  	s10 =	sld [smem:$0x3FBB]  }
0x39: {  	_ = 	snop;
	(pc) =	sbr.ind lr, $3  }
0x3a: {  	_ = 	snop  }
0x3b: {  	_ = 	snop  }
0x3c: {  	p2 =	seq.s32 s10, $0x1;
	s10 =	sld [smem:$0x3FBA]  }
0x3d: {  	_ =	shalt  }
0x3e: {  	_ =	shalt  }
0x3f: {  	_ =	shalt  }
0x40: {  	_ =	shalt  }
0x41: {  	_ =	shalt  }
0x42: {  	_ =	shalt  }
0x43: {  	_ =	shalt  }
0x44: {  	_ =	shalt  }
0x45: {  	_ =	shalt  }
0x46: {  	_ =	shalt  }
0x47: {  	_ =	shalt  }
0x48: {  	_ =	shalt  }
0x49: {  	_ =	shalt  }
0x4a: {  	_ =	shalt  }
0x4b: {  	_ =	shalt  }
0x4c: {  	_ =	shalt  }
0x4d: {  	_ =	shalt  }
0x4e: {  	_ =	shalt  }
0x4f: {  	_ =	shalt  }
0x50: {  	_ =	shalt  }
0x51: {  	_ =	shalt  }
0x52: {  	_ =	shalt  }
0x53: {  	_ =	shalt  }
0x54: {  	_ =	shalt  }
0x55: {  	_ =	shalt  }
0x56: {  	_ =	shalt  }
0x57: {  	_ =	shalt  }
0x58: {  	_ =	shalt  }
0x59: {  	_ =	shalt  }
0x5a: {  	_ =	shalt  }
0x5b: {  	_ =	shalt  }
0x5c: {  	_ =	shalt  }
0x5d: {  	_ =	shalt  }
0x5e: {  	_ =	shalt  }
0x5f: {  	_ =	shalt  }
0x60: {  	_ =	shalt  }
0x61: {  	_ =	shalt  }
0x62: {  	_ =	shalt  }
0x63: {  	_ =	shalt  }
0x64: {  	_ =	shalt  }
0x65: {  	_ =	shalt  }
0x66: {  	_ =	shalt  }
0x67: {  	_ =	shalt  }
0x68: {  	_ =	shalt  }
0x69: {  	_ =	shalt  }
0x6a: {  	_ =	shalt  }
0x6b: {  	_ =	shalt  }
0x6c: {  	_ =	shalt  }
0x6d: {  	_ =	shalt  }
0x6e: {  	_ =	shalt  }
0x6f: {  	_ =	shalt  }
0x70: {  	_ =	shalt  }
0x71: {  	_ =	shalt  }
0x72: {  	_ =	shalt  }
0x73: {  	_ =	shalt  }
0x74: {  	_ =	shalt  }
0x75: {  	_ =	shalt  }
0x76: {  	_ =	shalt  }
0x77: {  	_ =	shalt  }
0x78: {  	_ =	shalt  }
0x79: {  	_ =	shalt  }
0x7a: {  	_ =	shalt  }
0x7b: {  	_ =	shalt  }
0x7c: {  	_ =	shalt  }
0x7d: {  	_ =	shalt  }
0x7e: {  	_ =	shalt  }
0x7f: {  	_ =	shalt  }
0x80: {  	_ =	shalt  }
0x81: {  	_ =	shalt  }
0x82: {  	_ =	shalt  }
0x83: {  	_ =	shalt  }
0x84: {  	_ =	shalt  }
0x85: {  	_ =	shalt  }
0x86: {  	_ =	shalt  }
0x87: {  	_ =	shalt  }
.Lfunc_end0:
.L_simem_size_0:
called_computation.1_lowered:
.L_overlay_start_0:
0x88: {  	s2 =	sld [smem:$0x3FD9]  }
0x89: {  	s3 =	sld [smem:$0x3FFE];
	_ =	sdelay $0x1  }
0x8a: {  	s1 =	srdreg.scid  }
0x8b: {  	s0 =	sand.u32 $0x1, s1  }
0x8c: {  	s17 =	sshll.u32 s0, $0xA;
	s2 =	sadd.s32 s3, s2  }
0x8d: {  	s2 =	sadd.s32 s2, s17  }
0x8e: {  	[smem:$0x3FC6] =	sst s2  }
0x8f: {  	_ = 	snop  }
0x90: {  	s2 =	sld [smem:$0x3FD0];
	(tm) =	ssettm $0x1  }
0x91: {  	s18 =	sld [smem:$0x3FFB];
	_ =	sdelay $0x3  }
0x92: {  	_ =	strace s18  }
0x93: {  	s3 =	sld [smem:$0x3FFC];
	_ =	sdelay $0x3  }
0x94: {  	_ =	strace s3  }
0x95: {  	s3 =	sld [smem:$0x3FFD];
	_ =	sdelay $0x3  }
0x96: {  	_ =	strace s3  }
0x97: {  	_ =	strace $0x8FFFFFFF  }
0x98: {  	s19 =	sld [smem:$0x3FDB];
	_ =	sdelay $0x1  }
0x99: {  	s4 =	simm.s32 $_scs_section_size  }
0x9a: {  	s5 =	simm.s32 $_size__tile_overlayer_lowered;
	s6 =	simm.s32 $_tile_overlayer_lowered  }
0x9b: {  	s22 =	simm.s32 $0x1BFF;
	s21 =	sshll.u32 s6, $0x1;
	s3 =	sadd.s32 s4, s19  }
0x9c: {  	s7 =	simm.s32 $0x0;
	s20 =	sshll.u32 s5, $0x1;
	s5 =	sadd.s32 s21, s3  }
0x9d: {  	[timem:s7], [sflag:s22] =	dma.local [hbm:s5], s20  }
0x9e: {  	_ =	swait.ge [sflag:s22], s20  }
0x9f: {  	s4 =	ssub.s32 $0x0, s20;
	[sflag:s22] =	ssyncset.done $0x0  }
0xa0: {  	[sflag:s22] =	ssyncadd.s32 s4;
	_ =	sdelay $0x1  }
0xa1: {  	s23 =	simm.s32 $0x1B8B  }
0xa2: {  	_ =	swait.ge [sflag:s23], $0x1  }
0xa3: {  	[sflag:s23] =	ssyncset.done $0x0  }
0xa4: {  	s25 =	simm.s32 $0x1B8E;
	s24 =	sld [smem:$0x3FFE];
	[sflag:s23] =	ssyncadd.s32 $0xFFFFFFFF  }
0xa5: {  	s26 =	simm.s32 $execute0_lowered;
	[smem:$0x3FD2] =	sst s25  }
0xa6: {  	s5 =	sshll.u32 s26, $0x1;
	_ =	strace $0x80000046;
	[dreg:$0x1] =	wrdreg $0xFFFFFFFF  }
0xa7: {  	s28 =	simm.s32 $_size_execute0_lowered;
	s3 =	sadd.s32 s3, s5;
	[dreg:$0x0] =	wrdreg $0x0  }
0xa8: {  	s5 =	sshll.u32 s28, $0x1;
	[dreg:$0x2] =	wrdreg s3  }
0xa9: {  	[dreg:$0x3] =	wrdreg s5  }
0xaa: {  	[dreg:$0x4] =	wrdreg $0xC0  }
0xab: {  	_ =	task [dreg:s7], $0x5FFFF  }
0xac: {  	[dreg:$0x1] =	wrdreg $0xFFFFFFFF  }
0xad: {  	[dreg:$0x0] =	wrdreg $0x60  }
0xae: {  	[dreg:$0x2] =	wrdreg s24  }
0xaf: {  	[dreg:$0x3] =	wrdreg s2  }
0xb0: {  	[dreg:$0x4] =	wrdreg $0x9  }
0xb1: {  	_ =	task.clear_ibuf [dreg:s7], $0x5FFFF;
	_ =	strace $0x90000046  }
0xb2: {  	s29 =	simm.s32 $0x9;
	_ =	strace $0x80000048  }
0xb3: {  	_ =	swait.ge [sflag:s29], $0x1  }
0xb4: {  	[sflag:s29] =	ssyncadd.s32 $0xFFFFFFFF  }
0xb5: {  	_ =	strace $0x90000048  }
0xb6: {  	_ =	sfence  }
0xb7: {  	s30 =	sld [smem:$0x0];
	_ =	sdelay $0x2  }
0xb8: {  	s31 =	sshll.u32 s1, $0xD;
	s1 =	sshrl.u32 s1, $0x2  }
0xb9: {  	s3 =	sand.u32 $0x4000, s31;
	s1 =	sadd.s32 s1, s30  }
0xba: {  	s0 =	sor.u32 s3, s0;
	s1 =	sshll.u32 s1, $0x11  }
0xbb: {  	s0 =	sor.u32 s1, s0  }
0xbc: {  	s0 =	sadd.s32 $0x8F2B, s0  }
0xbd: {  	[sflag:s0] =	ssyncadd.remote.s32 $0x1  }
0xbe: {  	_ =	sfence.sel $0xFFFF  }
0xbf: {  	[dreg:$0x0] =	wrdreg $0xFFFFFFFF;
	(pc) =	sbr.abs _section_cstart, $3  }
0xc0: {  	[dreg:$0x1] =	wrdreg $0xFFFFFFFF  }
0xc1: {  	_ =	task.clear_ibuf [dreg:s7], $0x2FFFF;
	_ =	strace $0x9FFFFFFF  }
0xc2: {  	(tm) =	ssettm $0x7FFFFFFF  }
0xc3: {  	_ =	shalt  }
tec
execute0_lowered:
.L_overlay_start_1:
0x0: {  	(tag) =	ssettag $0x1  }
0x1: {  	s0 =	rddreg [dreg:$0x0];
	s1 =	srdreg.scid  }
0x2: {  	s9 =	stileid.u32;
	s4 =	rddreg [dreg:$0x1]  }
0x3: {  	s2 =	simm.s32 $0x0;
	s17 =	simm.s32 $0x100;
	s8 =	smul.u32 $0xC800, s9  }
0x4: {  	s28 =	simm.s32 $0x2;
	s1 =	sand.u32 $0x1, s1;
	s25 =	smul.u32 $0x64000, s9  }
0x5: {  	s29 =	simm.s32 $0x3;
	s3 =	sshll.u32 s9, $0x1;
	s19 =	smul.u32 $0x6400, s1  }
0x6: {  	s3 =	sor.u32 s1, s3;
	s18 =	ssub.s32 $0x2, s1;
	s1 =	smul.u32 $0x32000, s1  }
0x7: {  	s30 =	simm.s32 $0x4;
	[smem:$0x7FF] =	sst s2;
	s5 =	smul.u32 $0xC80, s3  }
0x8: {  	s31 =	simm.s32 $0x5;
	_ =	strace $0x80000047;
	s6 =	smul.u32 $0x190000, s3  }
0x9: {  	s3 =	sadd.s32 $0xF42E00, s0;
	s7 =	sshrl.u32 s18, $0x1;
	s5 =	sadd.s32 s5, s0  }
0xa: {  	s6 =	sshrl.u32 s6, $0x3;
	s0 =	ssub.s32 s18, s7;
	s5 =	sadd.s32 $0xA00, s5  }
0xb: {  	s6 =	sadd.s32 s4, s6;
	s0 =	smax.u32 s0, $0x1;
	[dreg:$0x3] =	wrdreg s5  }
0xc: {  	s24 =	sadd.s32 s19, s8;
	s20 =	sadd.s32 $0x2F800, s6;
	[dreg:$0x9] =	wrdreg s0  }
0xd: {  	s19 =	simm.s32 $0xA400;
	s21 =	sadd.s32 $0x30000, s6;
	[dreg:$0x4] =	wrdreg s20  }
0xe: {  	s18 =	simm.s32 $0x6400;
	s22 =	sadd.s32 $0x30800, s6;
	[dreg:$0x5] =	wrdreg s21  }
0xf: {  	s23 =	sadd.s32 $0x31000, s6;
	s6 =	sadd.s32 $0x31800, s6;
	[dreg:$0x6] =	wrdreg s22  }
0x10: {  	s5 =	sshll.u32 s24, $0x3;
	s0 =	simm.s32 $0x7;
	[dreg:$0x7] =	wrdreg s23  }
0x11: {  	s24 =	simm.s32 $0xA;
	[dreg:$0x8] =	wrdreg s6;
	s26 =	sadd.s32 s5, s4  }
0x12: {  	s4 =	sadd.s32 s25, s4;
	s21 =	simm.s32 $0xE400;
	s23 =	simm.s32 $0x12400  }
0x13: {  	s25 =	simm.s32 $0x16400;
	s20 =	simm.s32 $0x8;
	s22 =	simm.s32 $0x9  }
0x14: {  	s5 =	sadd.s32 $0x2000, s26;
	s12 =	sadd.s32 $0x1800, s26;
	s13 =	sadd.s32 $0x1000, s26  }
0x15: {  	s14 =	sadd.s32 $0x800, s26;
	s15 =	sadd.s32 s1, s4;
	s26 =	simm.s32 $0x1  }
0x16: {  	s1 =	simm.s32 $0x6;
	s4 =	simm.s32 $0x0;
	[dreg:$0xa] =	wrdreg s5  }
.LBB2_1:
0x17: {  	s5 =	rddreg [dreg:$0x3];
	s16 =	simm.s32 $0xB  }
0x18: {  	[tilespmem:s2], [sflag:$0xB] =	stream.linear.gather [hbm4b:s5+s2], $0x6400, $0x38;
	[tilespmem:$0x1A400] =	vst v63  }
0x19: {  	_ =	swait.ge [sflag:s16], $0x6400  }
0x1a: {  	[sflag:s16] =	ssyncset.done $0x0  }
0x1b: {  	[sflag:s16] =	ssyncadd.s32 $0xFFFF9C00  }
0x1c: {  	[tilespmem:s18], [sflag:$0x1] =	stream.indirect.gather [hbm4b:s3+s17], $0x40, s2, s17, $0xb8;
	[tilespmem:$0x1A400] =	vst v63  }
0x1d: {  	_ = 	snop  }
0x1e: {  	[tilespmem:s19], [sflag:$0x2] =	stream.indirect.gather [hbm4b:s3+s17], $0x40, s17, s17, $0xb8;
	[tilespmem:$0x1A400] =	vst v63  }
0x1f: {  	s6 =	simm.s32 $0x200  }
0x20: {  	[tilespmem:s21], [sflag:$0x3] =	stream.indirect.gather [hbm4b:s3+s17], $0x40, s6, s17, $0xb8;
	[tilespmem:$0x1A400] =	vst v63  }
0x21: {  	s7 =	simm.s32 $0x300  }
0x22: {  	[tilespmem:s23], [sflag:$0x4] =	stream.indirect.gather [hbm4b:s3+s17], $0x40, s7, s17, $0xb8;
	[tilespmem:$0x1A400] =	vst v63  }
0x23: {  	s8 =	simm.s32 $0x400  }
0x24: {  	[tilespmem:s25], [sflag:$0x5] =	stream.indirect.gather [hbm4b:s3+s17], $0x40, s8, s17, $0xb8;
	[tilespmem:$0x1A400] =	vst v63  }
0x25: {  	_ =	swait.ge [sflag:s26], $0x4000  }
0x26: {  	[sflag:s26] =	ssyncset.done $0x0  }
0x27: {  	[sflag:s26] =	ssyncadd.s32 $0xFFFFC000  }
0x28: {  	[hbm4b:s15+s2] =	stream.linear.scatter [tilespmem:s18], [sflag:$0x6], $0x4000, $0x38;
	[tilespmem:$0x1A400] =	vst v63  }
0x29: {  	_ =	swait.ge [sflag:s28], $0x4000  }
0x2a: {  	[sflag:s28] =	ssyncset.done $0x0  }
0x2b: {  	[sflag:s28] =	ssyncadd.s32 $0xFFFFC000  }
0x2c: {  	[hbm4b:s14+s2] =	stream.linear.scatter [tilespmem:s19], [sflag:$0x7], $0x4000, $0x38;
	[tilespmem:$0x1A400] =	vst v63  }
0x2d: {  	_ =	swait.ge [sflag:s29], $0x4000  }
0x2e: {  	[sflag:s29] =	ssyncset.done $0x0  }
0x2f: {  	[sflag:s29] =	ssyncadd.s32 $0xFFFFC000  }
0x30: {  	[hbm4b:s13+s2] =	stream.linear.scatter [tilespmem:s21], [sflag:$0x8], $0x4000, $0x38;
	[tilespmem:$0x1A400] =	vst v63  }
0x31: {  	_ =	swait.ge [sflag:s30], $0x4000  }
0x32: {  	[sflag:s30] =	ssyncset.done $0x0  }
0x33: {  	[sflag:s30] =	ssyncadd.s32 $0xFFFFC000  }
0x34: {  	[hbm4b:s12+s2] =	stream.linear.scatter [tilespmem:s23], [sflag:$0x9], $0x4000, $0x38;
	[tilespmem:$0x1A400] =	vst v63  }
0x35: {  	_ =	swait.ge [sflag:s31], $0x4000  }
0x36: {  	[sflag:s31] =	ssyncset.done $0x0  }
0x37: {  	s10 =	rddreg [dreg:$0xa];
	[sflag:s31] =	ssyncadd.s32 $0xFFFFC000  }
0x38: {  	[hbm4b:s10+s2] =	stream.linear.scatter [tilespmem:s25], [sflag:$0xA], $0x4000, $0x38;
	[tilespmem:$0x1A400] =	vst v63  }
0x39: {  	_ =	swait.ge [sflag:s1], $0x4000  }
0x3a: {  	[sflag:s1] =	ssyncset.done $0x0  }
0x3b: {  	s9 =	simm.s32 $0x500;
	[sflag:s1] =	ssyncadd.s32 $0xFFFFC000  }
0x3c: {  	[tilespmem:s18], [sflag:$0x1] =	stream.indirect.gather [hbm4b:s3+s17], $0x40, s9, s17, $0xb8;
	[tilespmem:$0x1A400] =	vst v63  }
0x3d: {  	_ =	swait.ge [sflag:s0], $0x4000  }
0x3e: {  	[sflag:s0] =	ssyncset.done $0x0  }
0x3f: {  	s11 =	simm.s32 $0x600;
	[sflag:s0] =	ssyncadd.s32 $0xFFFFC000  }
0x40: {  	[tilespmem:s19], [sflag:$0x2] =	stream.indirect.gather [hbm4b:s3+s17], $0x40, s11, s17, $0xb8;
	[tilespmem:$0x1A400] =	vst v63  }
0x41: {  	_ =	swait.ge [sflag:s20], $0x4000  }
0x42: {  	[sflag:s20] =	ssyncset.done $0x0  }
0x43: {  	s16 =	simm.s32 $0x700;
	[sflag:s20] =	ssyncadd.s32 $0xFFFFC000  }
0x44: {  	[tilespmem:s21], [sflag:$0x3] =	stream.indirect.gather [hbm4b:s3+s17], $0x40, s16, s17, $0xb8;
	[tilespmem:$0x1A400] =	vst v63  }
0x45: {  	_ =	swait.ge [sflag:s22], $0x4000  }
0x46: {  	[sflag:s22] =	ssyncset.done $0x0  }
0x47: {  	s5 =	simm.s32 $0x1400;
	s6 =	simm.s32 $0x800;
	[sflag:s22] =	ssyncadd.s32 $0xFFFFC000  }
0x48: {  	[tilespmem:s23], [sflag:$0x4] =	stream.indirect.gather [hbm4b:s3+s17], $0x40, s6, s17, $0xb8;
	[tilespmem:$0x1A400] =	vst v63  }
0x49: {  	s7 =	sadd.s32 $0x2800, s15;
	s8 =	sadd.s32 $0x2800, s12;
	_ =	swait.ge [sflag:s24], $0x4000  }
0x4a: {  	s10 =	sadd.s32 $0x2800, s10;
	s9 =	sadd.s32 $0x2800, s13;
	[sflag:s24] =	ssyncset.done $0x0  }
0x4b: {  	s16 =	simm.s32 $0x900;
	s6 =	sadd.s32 $0x2800, s14;
	[sflag:s24] =	ssyncadd.s32 $0xFFFFC000  }
.LBB2_2:
0x4c: {  	[tilespmem:s25], [sflag:$0x5] =	stream.indirect.gather [hbm4b:s3+s17], $0x40, s16, s17, $0xb8;
	[tilespmem:$0x1A400] =	vst v63  }
0x4d: {  	s16 =	smov.u32 s5  }
0x4e: {  	p0 =	sne.s32 s5, $0x16800;
	s5 =	sadd.s32 $0x1400, s5;
	_ =	swait.ge [sflag:s26], $0x4000  }
0x4f: {  	[sflag:s26] =	ssyncset.done $0x0  }
0x50: {  	[sflag:s26] =	ssyncadd.s32 $0xFFFFC000  }
0x51: {  	[hbm4b:s7+s2] =	stream.linear.scatter [tilespmem:s18], [sflag:$0x6], $0x4000, $0x38;
	[tilespmem:$0x1A400] =	vst v63  }
0x52: {  	_ =	swait.ge [sflag:s28], $0x4000  }
0x53: {  	[sflag:s28] =	ssyncset.done $0x0  }
0x54: {  	[sflag:s28] =	ssyncadd.s32 $0xFFFFC000  }
0x55: {  	[hbm4b:s6+s2] =	stream.linear.scatter [tilespmem:s19], [sflag:$0x7], $0x4000, $0x38;
	[tilespmem:$0x1A400] =	vst v63  }
0x56: {  	_ =	swait.ge [sflag:s29], $0x4000  }
0x57: {  	[sflag:s29] =	ssyncset.done $0x0  }
0x58: {  	[sflag:s29] =	ssyncadd.s32 $0xFFFFC000  }
0x59: {  	[hbm4b:s9+s2] =	stream.linear.scatter [tilespmem:s21], [sflag:$0x8], $0x4000, $0x38;
	[tilespmem:$0x1A400] =	vst v63  }
0x5a: {  	_ =	swait.ge [sflag:s30], $0x4000  }
0x5b: {  	[sflag:s30] =	ssyncset.done $0x0  }
0x5c: {  	[sflag:s30] =	ssyncadd.s32 $0xFFFFC000  }
0x5d: {  	[hbm4b:s8+s2] =	stream.linear.scatter [tilespmem:s23], [sflag:$0x9], $0x4000, $0x38;
	[tilespmem:$0x1A400] =	vst v63  }
0x5e: {  	_ =	swait.ge [sflag:s31], $0x4000  }
0x5f: {  	[sflag:s31] =	ssyncset.done $0x0  }
0x60: {  	[sflag:s31] =	ssyncadd.s32 $0xFFFFC000  }
0x61: {  	[hbm4b:s10+s2] =	stream.linear.scatter [tilespmem:s25], [sflag:$0xA], $0x4000, $0x38;
	[tilespmem:$0x1A400] =	vst v63  }
0x62: {  	_ =	swait.ge [sflag:s1], $0x4000  }
0x63: {  	s16 =	sshra.s32 s16, $0x2;
	[sflag:s1] =	ssyncset.done $0x0  }
0x64: {  	s11 =	sadd.s32 $0x500, s16;
	[sflag:s1] =	ssyncadd.s32 $0xFFFFC000  }
0x65: {  	[tilespmem:s18], [sflag:$0x1] =	stream.indirect.gather [hbm4b:s3+s17], $0x40, s11, s17, $0xb8;
	[tilespmem:$0x1A400] =	vst v63  }
0x66: {  	_ =	swait.ge [sflag:s0], $0x4000  }
0x67: {  	[sflag:s0] =	ssyncset.done $0x0  }
0x68: {  	s11 =	sadd.s32 $0x600, s16;
	[sflag:s0] =	ssyncadd.s32 $0xFFFFC000  }
0x69: {  	[tilespmem:s19], [sflag:$0x2] =	stream.indirect.gather [hbm4b:s3+s17], $0x40, s11, s17, $0xb8;
	[tilespmem:$0x1A400] =	vst v63  }
0x6a: {  	_ =	swait.ge [sflag:s20], $0x4000  }
0x6b: {  	[sflag:s20] =	ssyncset.done $0x0  }
0x6c: {  	s11 =	sadd.s32 $0x700, s16;
	[sflag:s20] =	ssyncadd.s32 $0xFFFFC000  }
0x6d: {  	[tilespmem:s21], [sflag:$0x3] =	stream.indirect.gather [hbm4b:s3+s17], $0x40, s11, s17, $0xb8;
	[tilespmem:$0x1A400] =	vst v63  }
0x6e: {  	_ =	swait.ge [sflag:s22], $0x4000  }
0x6f: {  	[sflag:s22] =	ssyncset.done $0x0  }
.Ltmp0:
0x70: {  	s11 =	sadd.s32 $0x800, s16;
	[sflag:s22] =	ssyncadd.s32 $0xFFFFC000;
	(pc) =	sbr.rel @p0 .LBB2_2-.Ltmp0, $4  }
0x71: {  	[tilespmem:s23], [sflag:$0x4] =	stream.indirect.gather [hbm4b:s3+s17], $0x40, s11, s17, $0xb8;
	[tilespmem:$0x1A400] =	vst v63  }
0x72: {  	s7 =	sadd.s32 $0x2800, s7;
	s6 =	sadd.s32 $0x2800, s6;
	_ =	swait.ge [sflag:s24], $0x4000  }
0x73: {  	s9 =	sadd.s32 $0x2800, s9;
	s8 =	sadd.s32 $0x2800, s8;
	[sflag:s24] =	ssyncset.done $0x0  }
0x74: {  	s10 =	sadd.s32 $0x2800, s10;
	s16 =	sadd.s32 $0x900, s16;
	[sflag:s24] =	ssyncadd.s32 $0xFFFFC000  }
0x75: {  	[tilespmem:s25], [sflag:$0x5] =	stream.indirect.gather [hbm4b:s3+s17], $0x40, s16, s17, $0xb8;
	[tilespmem:$0x1A400] =	vst v63  }
0x76: {  	_ =	swait.ge [sflag:s26], $0x4000  }
0x77: {  	[sflag:s26] =	ssyncset.done $0x0  }
0x78: {  	s5 =	rddreg [dreg:$0x4];
	[sflag:s26] =	ssyncadd.s32 $0xFFFFC000  }
0x79: {  	[hbm4b:s5+s2] =	stream.linear.scatter [tilespmem:s18], [sflag:$0x6], $0x4000, $0x38;
	[tilespmem:$0x1A400] =	vst v63  }
0x7a: {  	_ =	swait.ge [sflag:s28], $0x4000  }
0x7b: {  	[sflag:s28] =	ssyncset.done $0x0  }
0x7c: {  	s8 =	rddreg [dreg:$0x5];
	[sflag:s28] =	ssyncadd.s32 $0xFFFFC000  }
0x7d: {  	[hbm4b:s8+s2] =	stream.linear.scatter [tilespmem:s19], [sflag:$0x7], $0x4000, $0x38;
	[tilespmem:$0x1A400] =	vst v63  }
0x7e: {  	_ =	swait.ge [sflag:s29], $0x4000  }
0x7f: {  	[sflag:s29] =	ssyncset.done $0x0  }
0x80: {  	s9 =	rddreg [dreg:$0x6];
	[sflag:s29] =	ssyncadd.s32 $0xFFFFC000  }
0x81: {  	[hbm4b:s9+s2] =	stream.linear.scatter [tilespmem:s21], [sflag:$0x8], $0x4000, $0x38;
	[tilespmem:$0x1A400] =	vst v63  }
0x82: {  	_ =	swait.ge [sflag:s30], $0x4000  }
0x83: {  	[sflag:s30] =	ssyncset.done $0x0  }
0x84: {  	s10 =	rddreg [dreg:$0x7];
	[sflag:s30] =	ssyncadd.s32 $0xFFFFC000  }
0x85: {  	[hbm4b:s10+s2] =	stream.linear.scatter [tilespmem:s23], [sflag:$0x9], $0x4000, $0x38;
	[tilespmem:$0x1A400] =	vst v63  }
0x86: {  	_ =	swait.ge [sflag:s31], $0x4000  }
0x87: {  	[sflag:s31] =	ssyncset.done $0x0  }
0x88: {  	s11 =	rddreg [dreg:$0x8];
	[sflag:s31] =	ssyncadd.s32 $0xFFFFC000  }
0x89: {  	[hbm4b:s11+s2] =	stream.linear.scatter [tilespmem:s25], [sflag:$0xA], $0x4000, $0x38;
	[tilespmem:$0x1A400] =	vst v63  }
0x8a: {  	_ =	swait.ge [sflag:s1], $0x4000  }
0x8b: {  	[sflag:s1] =	ssyncset.done $0x0  }
0x8c: {  	[sflag:s1] =	ssyncadd.s32 $0xFFFFC000  }
0x8d: {  	_ =	swait.ge [sflag:s0], $0x4000  }
0x8e: {  	[sflag:s0] =	ssyncset.done $0x0  }
0x8f: {  	[sflag:s0] =	ssyncadd.s32 $0xFFFFC000  }
0x90: {  	_ =	swait.ge [sflag:s20], $0x4000  }
0x91: {  	[sflag:s20] =	ssyncset.done $0x0  }
0x92: {  	[sflag:s20] =	ssyncadd.s32 $0xFFFFC000  }
0x93: {  	_ =	swait.ge [sflag:s22], $0x4000  }
0x94: {  	[sflag:s22] =	ssyncset.done $0x0  }
0x95: {  	[sflag:s22] =	ssyncadd.s32 $0xFFFFC000  }
0x96: {  	_ =	swait.ge [sflag:s24], $0x4000  }
0x97: {  	s4 =	sadd.s32 $0x1, s4;
	s16 =	rddreg [dreg:$0x9]  }
0x98: {  	p0 =	sne.s32 s4, s16  }
.Ltmp1:
0x99: {  	_ = 	snop;
	(pc) =	sbr.rel @p0 .LBB2_1-.Ltmp1, $3  }
0x9a: {  	_ =	sdelay $0x1  }
0x9b: {  	[sflag:s24] =	ssyncset.done $0x0  }
0x9c: {  	[sflag:s24] =	ssyncadd.s32 $0xFFFFC000  }
0x9d: {  	_ =	sfence.sel $0x180000  }
0x9e: {  	[bflag:$0x0] =	sbarrier.arrive $0xFFFF  }
0x9f: {  	_ =	strace $0x90000047  }
0xa0: {  	s0 =	stileid.u32;
	[bflag:$0x2] =	sbarrier.arrive $0xFFFF  }
0xa1: {  	p0 =	sne.s32 s0, $0x0;
	s0 =	rddreg [dreg:$0x2]  }
0xa2: {  	s0 =	sadd.s32 @!p0 $0x100000, s0  }
0xa3: {  	[sflag:s0] =	ssyncadd.tile.s32 @!p0 $0x1;
	_ =	shalt  }
.Lfunc_end2:
_tile_overlayer_lowered:
.L_overlay_start_2:
0xa4: {  	(tag) =	ssettag $0x2  }
0xa5: {  	s0 =	rddreg [dreg:$0x0];
	s2 =	stileid.u32  }
0xa6: {  	s1 =	rddreg [dreg:$0x1];
	p0 =	sne.s32 s2, $0x0  }
0xa7: {  	s3 =	rddreg [dreg:$0x2];
	[bflag:$0x3] =	sbarrier.arrive $0xFFFF;
	s2 =	simm.s32 @!p0 $0x1C0B  }
0xa8: {  	[timem:s3], [sflag:s2] =	dma.local @!p0 [hbm:s0], s1  }
0xa9: {  	s0 =	simm.s32 @!p0 $0xB  }
0xaa: {  	_ =	swait.ge @!p0 [sflag:s0], s1  }
0xab: {  	s1 =	ssub.s32 @!p0 $0x0, s1;
	[sflag:s0] =	ssyncset.done @!p0 $0x0  }
0xac: {  	[sflag:s0] =	ssyncadd.s32 @!p0 s1  }
0xad: {  	[bflag:$0x3] =	sbarrier.arrive $0xFFFF  }
0xae: {  	_ =	shalt  }

// kernel: sparse-core-data-format-call.cloned.1.call-start
scs
called_computation_lowered:
.L_overlay_start_0:
0x0: {  	s2 =	sld [smem:$0x3FD9]  }
0x1: {  	s3 =	sld [smem:$0x3FFE];
	_ =	sdelay $0x1  }
0x2: {  	s1 =	srdreg.scid  }
0x3: {  	s0 =	sand.u32 $0x1, s1  }
0x4: {  	s18 =	sshll.u32 s0, $0xA;
	s2 =	sadd.s32 s3, s2  }
0x5: {  	s2 =	sadd.s32 s2, s18  }
0x6: {  	[smem:$0x3FC6] =	sst s2  }
0x7: {  	_ = 	snop  }
0x8: {  	s2 =	sld [smem:$0x3FD0];
	(tm) =	ssettm $0x1  }
0x9: {  	s19 =	sld [smem:$0x3FFB];
	_ =	sdelay $0x3  }
0xa: {  	_ =	strace s19  }
0xb: {  	s3 =	sld [smem:$0x3FFC];
	_ =	sdelay $0x3  }
0xc: {  	_ =	strace s3  }
0xd: {  	s3 =	sld [smem:$0x3FFD];
	_ =	sdelay $0x3  }
0xe: {  	_ =	strace s3  }
0xf: {  	_ =	strace $0x8FFFFFFF  }
0x10: {  	s20 =	sld [smem:$0x3FDB];
	_ =	sdelay $0x1  }
0x11: {  	s4 =	simm.s32 $_scs_section_size  }
0x12: {  	s5 =	simm.s32 $_size__tile_overlayer_lowered;
	s6 =	simm.s32 $_tile_overlayer_lowered  }
0x13: {  	s23 =	simm.s32 $0x1BFF;
	s22 =	sshll.u32 s6, $0x1;
	s3 =	sadd.s32 s4, s20  }
0x14: {  	s7 =	simm.s32 $0x0;
	s21 =	sshll.u32 s5, $0x1;
	s5 =	sadd.s32 s22, s3  }
0x15: {  	[timem:s7], [sflag:s23] =	dma.local [hbm:s5], s21  }
0x16: {  	_ =	swait.ge [sflag:s23], s21  }
0x17: {  	s4 =	ssub.s32 $0x0, s21;
	[sflag:s23] =	ssyncset.done $0x0  }
0x18: {  	[sflag:s23] =	ssyncadd.s32 s4;
	_ =	sdelay $0x1  }
0x19: {  	s24 =	simm.s32 $0x1B8B  }
0x1a: {  	_ =	swait.ge [sflag:s24], $0x1  }
0x1b: {  	[sflag:s24] =	ssyncset.done $0x0  }
0x1c: {  	s26 =	simm.s32 $0x1B8E;
	s25 =	sld [smem:$0x3FFE];
	[sflag:s24] =	ssyncadd.s32 $0xFFFFFFFF  }
0x1d: {  	s27 =	simm.s32 $execute0_lowered;
	[smem:$0x3FD2] =	sst s26  }
0x1e: {  	s5 =	sshll.u32 s27, $0x1;
	_ =	strace $0x80000049;
	[dreg:$0x1] =	wrdreg $0xFFFFFFFF  }
0x1f: {  	s28 =	simm.s32 $_size_execute0_lowered;
	s3 =	sadd.s32 s3, s5;
	[dreg:$0x0] =	wrdreg $0x0  }
0x20: {  	s5 =	sshll.u32 s28, $0x1;
	[dreg:$0x2] =	wrdreg s3  }
0x21: {  	[dreg:$0x3] =	wrdreg s5  }
0x22: {  	[dreg:$0x4] =	wrdreg $0xC0  }
0x23: {  	_ =	task [dreg:s7], $0x5FFFF  }
0x24: {  	[dreg:$0x1] =	wrdreg $0xFFFFFFFF  }
0x25: {  	[dreg:$0x0] =	wrdreg $0x60  }
0x26: {  	[dreg:$0x2] =	wrdreg s25  }
0x27: {  	[dreg:$0x3] =	wrdreg s2  }
0x28: {  	[dreg:$0x4] =	wrdreg $0x9  }
0x29: {  	_ =	task.clear_ibuf [dreg:s7], $0x5FFFF;
	_ =	strace $0x90000049  }
0x2a: {  	s29 =	simm.s32 $0x9;
	_ =	strace $0x8000004B  }
0x2b: {  	_ =	swait.ge [sflag:s29], $0x1  }
0x2c: {  	[sflag:s29] =	ssyncadd.s32 $0xFFFFFFFF  }
0x2d: {  	_ =	strace $0x9000004B  }
0x2e: {  	_ =	sfence  }
0x2f: {  	s30 =	sld [smem:$0x0];
	_ =	sdelay $0x2  }
0x30: {  	s31 =	sshll.u32 s1, $0xD;
	s1 =	sshrl.u32 s1, $0x2  }
0x31: {  	s3 =	sand.u32 $0x4000, s31;
	s1 =	sadd.s32 s1, s30  }
0x32: {  	s0 =	sor.u32 s3, s0;
	s1 =	sshll.u32 s1, $0x11  }
0x33: {  	s0 =	sor.u32 s1, s0  }
0x34: {  	s0 =	sadd.s32 $0x8F2B, s0  }
0x35: {  	[sflag:s0] =	ssyncadd.remote.s32 $0x1  }
0x36: {  	_ =	sfence.sel $0xFFFF  }
0x37: {  	[dreg:$0x0] =	wrdreg $0xFFFFFFFF;
	(pc) =	sbr.abs _section_cstart, $3  }
0x38: {  	[dreg:$0x1] =	wrdreg $0xFFFFFFFF  }
0x39: {  	_ =	task.clear_ibuf [dreg:s7], $0x2FFFF;
	_ =	strace $0x9FFFFFFF  }
0x3a: {  	(tm) =	ssettm $0x7FFFFFFF  }
0x3b: {  	_ =	shalt  }
tec
execute0_lowered:
.L_overlay_start_1:
0x0: {  	(tag) =	ssettag $0x1  }
0x1: {  	s0 =	srdreg.scid  }
0x2: {  	s1 =	sshll.u32 s0, $0x4  }
0x3: {  	s0 =	stileid.u32;
	s1 =	sand.u32 $0x10, s1  }
0x4: {  	s1 =	sor.u32 s0, s1  }
0x5: {  	s6 =	rddreg [dreg:$0x0];
	s4 =	simm.s32 $0x1;
	s2 =	sshll.u32 s1, $0x7  }
0x6: {  	s7 =	simm.s32 $0x2;
	s12 =	simm.s32 $0x0;
	s1 =	ssub.s32 $0x1000, s2  }
0x7: {  	s8 =	simm.s32 $0x8000;
	s13 =	simm.s32 $0x0;
	s3 =	sand.u32 $0xF80, s1  }
0x8: {  	s9 =	simm.s32 $0x0;
	s5 =	sshrl.u32 s1, $0xC;
	p0 =	sne.s32 s3, $0x0  }
.Ltmp0:
0x9: {  	s1 =	rddreg [dreg:$0x2];
	s4 =	simm.s32 @!p0 $0x0;
	(pc) =	sbr.rel .LBB1_1-.Ltmp0, $4  }
0xa: {  	s11 =	simm.s32 $0x0;
	s3 =	rddreg [dreg:$0x1];
	s5 =	sadd.s32 s4, s5  }
0xb: {  	_ =	strace $0x8000004A;
	s4 =	simm.s32 $0x1;
	s5 =	smul.u32 $0xC8, s5  }
0xc: {  	s6 =	sadd.s32 $0xA00, s6;
	s10 =	smov.u32 s2;
	[sflag:s4] =	ssyncpa.u1 $0x0  }
0xd: {  	p0 =	por $0x0, $0x0;
	[sflag:s7] =	ssyncpa.u1 $0x0;
	s7 =	sor.u32 $0x1, s5  }
.LBB1_4:
0xe: {  	s16 =	sshll.u32 s13, $0x3;
	s17 =	sand.u32 $0x78, s13  }
0xf: {  	s30 =	sand.u32 $0x7E00, s13;
	s12 =	sshll.u32 s12, $0xF;
	s16 =	sand.u32 $0xC00, s16  }
0x10: {  	[tilespmem:s15+$0x810 ss:$0x81] =	vst.msk $0xffff, v2;
	s31 =	sand.u32 $0x7, s13;
	s16 =	sor.u32 s17, s16;
	s17 =	sadd.s32 s3, s30  }
0x11: {  	[tilespmem:s15+$0x1020 ss:$0x81] =	vst.msk $0xffff, v0;
	s13 =	sshll.u32 s31, $0x12;
	s12 =	sadd.s32 s12, s17;
	s16 =	sshrl.u32 s16, $0x3  }
0x12: {  	[tilespmem:s15+$0x0 ss:$0x81] =	vst.msk $0xffff, v1;
	s13 =	sor.u32 $0x400, s13;
	s12 =	sadd.s32 s16, s12  }
0x13: {  	[hbm4b:s12+s13] =	stream.strided.scatter [tilespmem:s14], [sflag:$0x2], $0x2000, s8, s13, $0x20;
	[tilespmem:$0x8080] =	vst v63  }
.LBB1_5:
0x14: {  	s14 =	sadd.s32 $0x1, s9  }
0x15: {  	s12 =	sadd.s32 $0x1000, s10;
	s16 =	smov.u32 s10;
	p2 =	sgt.s32 s14, $0xC7  }
0x16: {  	s16 =	smov.u32 @p2 s12  }
0x17: {  	s14 =	simm.s32 @p2 $0x0;
	p2 =	sgt.s32 s16, $0xFFF  }
0x18: {  	s16 =	smov.u32 @p2 s2;
	p2 =	sne.s32 s11, s7  }
.Ltmp1:
0x19: {  	p1 =	slt.u32 s11, $0x2;
	(pc) =	sbr.rel @!p2 .LBB1_6-.Ltmp1, $4  }
0x1a: {  	s15 =	simm.s32 @!p1 $0x2  }
0x1b: {  	s13 =	smov.u32 s10;
	p0 =	por !p0, !p0;
	_ =	swait.ge @!p1 [sflag:s15], $0x2000  }
0x1c: {  	s12 =	smov.u32 s9;
	[sflag:s15] =	ssyncset.done @!p1 $0x0;
	s9 =	smov.u32 s14  }
0x1d: {  	s11 =	sadd.s32 $0x1, s11;
	[sflag:s15] =	ssyncadd.s32 @!p1 $0xFFFFE000;
	s10 =	smov.u32 s16  }
.LBB1_1:
0x1e: {  	p1 =	sge.u32 s11, s5  }
0x1f: {  	s14 =	sand.u32 @!p1 $0x1FFFFFF, s9  }
0x20: {  	s15 =	smulhi.u32 @!p1 $0x147AE15, s14;
	_ =	sdelay $0x1  }
0x21: {  	s15 =	smul.u32 @!p1 $0xC8, s15  }
0x22: {  	s16 =	sxor.u32 @!p1 $0xFFFFFFFF, s11;
	s17 =	smul.u32 @!p1 $0xC80, s10  }
0x23: {  	s31 =	sadd.s32 $0xFFFFFFFF, s11;
	s16 =	sshll.u32 @!p1 s16, $0xD;
	s14 =	ssub.s32 @!p1 s14, s15  }
0x24: {  	s15 =	sand.u32 @!p1 $0x2000, s16;
	s16 =	sadd.s32 @!p1 s6, s17;
	s14 =	sshll.u32 @!p1 s14, $0x4  }
0x25: {  	s17 =	simm.s32 @!p1 $0x6400;
	s14 =	sadd.s32 @!p1 s14, s16;
	s16 =	simm.s32 @!p1 $0x40  }
0x26: {  	[tilespmem:s15], [sflag:$0x1] =	stream.strided.gather @!p1 [hbm4b:s14+s16], $0x2000, s17, s16, $0x38;
	[tilespmem:$0x8080] =	vst v63  }
0x27: {  	p1 =	sge.u32 s31, s5  }
.Ltmp2:
0x28: {  	_ = 	snop;
	(pc) =	sbr.rel @p1 .LBB1_5-.Ltmp2, $1  }
0x29: {  	_ =	sdelay $0x3  }
0x2a: {  	s14 =	simm.s32 $0x1  }
0x2b: {  	_ =	swait.ge [sflag:s4], $0x2000;
	s14 =	simm.s32 @!p0 $0x0  }
0x2c: {  	[sflag:s4] =	ssyncset.done $0x0;
	s15 =	sshll.u32 s14, $0xD  }
0x2d: {  	[sflag:s4] =	ssyncadd.s32 $0xFFFFE000;
	s18 =	sor.u32 $0x20, s15  }
0x2e: {  	s14 =	smul.u32 $0x8100, s14;
	v3 =	vld [tilespmem:s18+$0x10]  }
0x2f: {  	s30 =	sand.u32 $0x1, s11;
	v2 =	vld [tilespmem:s18+$0xFFFFFFF0]  }
0x30: {  	s15 =	smul.u32 $0x8100, s30;
	s14 =	sshrl.u32 s14, $0x2;
	v0 =	vld [tilespmem:s18+$0x0]  }
0x31: {  	v1 =	vld [tilespmem:s18+$0xFFFFFFE0];
	s16 =	sor.u32 $0x4000, s14  }
0x32: {  	s31 =	sshrl.u32 s15, $0x2;
	s15 =	sadd.s32 $0x0, s16  }
0x33: {  	s17 =	simm.s32 $0x4;
	s18 =	sadd.s32 $0x40, s18;
	s14 =	sor.u32 $0x4000, s31;
	[tilespmem:s15+$0x1830 ss:$0x81] =	vst.msk $0xffff, v3  }
.LBB1_3:
0x34: {  	v3 =	vld [tilespmem:s18+$0x10];
	p1 =	sne.s32 s17, $0x1FC;
	[tilespmem:s15+$0x810 ss:$0x81] =	vst.msk $0xffff, v2;
	s19 =	smov.u32 s17;
	s17 =	sadd.s32 $0x4, s17  }
.Ltmp3:
0x35: {  	v2 =	vld [tilespmem:s18+$0xFFFFFFF0];
	[tilespmem:s15+$0x1020 ss:$0x81] =	vst.msk $0xffff, v0;
	(pc) =	sbr.rel @p1 .LBB1_3-.Ltmp3, $4  }
0x36: {  	v0 =	vld [tilespmem:s18+$0x0];
	[tilespmem:s15+$0x0 ss:$0x81] =	vst.msk $0xffff, v1  }
0x37: {  	s15 =	sshra.s32 s19, $0x2;
	v1 =	vld [tilespmem:s18+$0xFFFFFFE0]  }
0x38: {  	s15 =	sadd.s32 s15, s16  }
0x39: {  	s18 =	sadd.s32 $0x40, s18;
	[tilespmem:s15+$0x1830 ss:$0x81] =	vst.msk $0xffff, v3  }
.Ltmp4:
0x3a: {  	_ = 	snop;
	(pc) =	sbr.rel .LBB1_4-.Ltmp4, $1  }
0x3b: {  	_ =	sdelay $0x3  }
.LBB1_6:
0x3c: {  	_ =	sfence.sel $0x180000  }
0x3d: {  	s2 =	simm.s32 $0x1;
	[bflag:$0x0] =	sbarrier.arrive $0xFFFF  }
0x3e: {  	s31 =	simm.s32 $0x2;
	[sflag:s2] =	ssyncpa.u1 $0x1  }
0x3f: {  	[sflag:s31] =	ssyncpa.u1 $0x1  }
0x40: {  	p0 =	sne.s32 s0, $0x0;
	_ =	strace $0x9000004A  }
0x41: {  	s0 =	sadd.s32 @!p0 $0x100000, s1;
	[bflag:$0x2] =	sbarrier.arrive $0xFFFF  }
0x42: {  	[sflag:s0] =	ssyncadd.tile.s32 @!p0 $0x1;
	_ =	shalt  }
.Lfunc_end1:
_tile_overlayer_lowered:
.L_overlay_start_2:
0x43: {  	(tag) =	ssettag $0x2  }
0x44: {  	s0 =	rddreg [dreg:$0x0];
	s2 =	stileid.u32  }
0x45: {  	s1 =	rddreg [dreg:$0x1];
	p0 =	sne.s32 s2, $0x0  }
0x46: {  	s3 =	rddreg [dreg:$0x2];
	[bflag:$0x3] =	sbarrier.arrive $0xFFFF;
	s2 =	simm.s32 @!p0 $0x1C01  }
0x47: {  	[timem:s3], [sflag:s2] =	dma.local @!p0 [hbm:s0], s1  }
0x48: {  	s0 =	simm.s32 @!p0 $0x1  }
0x49: {  	_ =	swait.ge @!p0 [sflag:s0], s1  }
0x4a: {  	s1 =	ssub.s32 @!p0 $0x0, s1;
	[sflag:s0] =	ssyncset.done @!p0 $0x0  }
0x4b: {  	[sflag:s0] =	ssyncadd.s32 @!p0 s1  }
0x4c: {  	[bflag:$0x3] =	sbarrier.arrive $0xFFFF  }
0x4d: {  	_ =	shalt  }

</sc_bundles>
